<compile_context>
chip_gen: v7x
topology: tpu7x:2x2x1
jax: 0.10.2.dev20260603
libtpu: 0.0.44.dev20260713+nightly
codegen_flags: <defaults>
</compile_context>

<pallas_src>
import functools
import jax
import jax.numpy as jnp
from jax.experimental import pallas as pl
from jax.experimental.pallas import tpu as pltpu
from jax.experimental.pallas import tpu_sc as plsc

B, L, E, D, H, FF, NQ, OUT, NC = 8, 1024, 512, 256, 2, 1024, 4, 1024, 24
MAXP = 1001
HD = D // 2
DH = E // H
DH2 = D // H
BL = B * L
NW = 32
BPW = BL // NW
CHUNK = 128

_F32 = jnp.float32


def _dot(a, b):
    return jnp.dot(a, b, preferred_element_type=_F32)


def _softmax(s):
    e = jnp.exp(s)
    return e * (1.0 / jnp.sum(e, axis=-1, keepdims=True))


def _ln(x, g, b, eps=1e-5):
    m = jnp.mean(x, axis=-1, keepdims=True)
    v = jnp.mean(x * x, axis=-1, keepdims=True) - m * m
    return (x - m) * (g * jax.lax.rsqrt(v + eps)) + b


_SC_MESH = plsc.VectorSubcoreMesh(core_axis_name="c", subcore_axis_name="s")


@functools.partial(
    pl.kernel,
    mesh=_SC_MESH,
    out_type=[jax.ShapeDtypeStruct((BL, HD), jnp.float32),
              jax.ShapeDtypeStruct((BL, HD), jnp.float32)],
    scratch_types=[pltpu.VMEM((CHUNK,), jnp.int32),
                   pltpu.VMEM((CHUNK, HD), jnp.float32),
                   pltpu.SemaphoreType.DMA],
)
def _sc_gather(xc_hbm, yc_hbm, ex_hbm, ey_hbm, xout_hbm, yout_hbm,
               idx_v, rows_v, sem):
    wid = jax.lax.axis_index("s") * 2 + jax.lax.axis_index("c")
    base = wid * BPW
    for idx_hbm, tab_hbm, out_hbm in ((xc_hbm, ex_hbm, xout_hbm),
                                      (yc_hbm, ey_hbm, yout_hbm)):
        for j in range(BPW // CHUNK):
            off = base + j * CHUNK
            pltpu.sync_copy(idx_hbm.at[pl.ds(off, CHUNK)], idx_v)
            pltpu.async_copy(tab_hbm.at[idx_v], rows_v, sem).wait()
            pltpu.sync_copy(rows_v, out_hbm.at[pl.ds(off, CHUNK)])


def _mha_body(x_ref, Wq, Wk, Wv, Wo, bo, We, be, out_ref):
    xb = x_ref[0]
    q = _dot(xb, Wq[...]) * (1.0 / jnp.sqrt(jnp.float32(E)))
    k = _dot(xb, Wk[...])
    v = _dot(xb, Wv[...])
    WoWe = _dot(Wo[...], We[...])
    a = None
    for hh in range(H):
        sl = slice(hh * DH, (hh + 1) * DH)
        en = jax.lax.dot_general(q[:, sl], k[:, sl],
                                 (((1,), (1,)), ((), ())),
                                 preferred_element_type=_F32)
        e = jnp.exp(en)
        r = 1.0 / jnp.sum(e, axis=-1, keepdims=True)
        hv = _dot(e, v[:, sl]) * r
        part = _dot(hv, WoWe[sl, :])
        a = part if a is None else a + part
    out_ref[0] = a + (_dot(bo[...], We[...]) + be[...])


def _rest_body(tok_ref, xe_ref, ye_ref, mk_ref, am_ref,
               Lx1, bx1, Lx2, bx2, Ly1, by1, Ly2, by2,
               aWqkv, abqkv, aWo, abo, ag1, ab1, aW1, abf1, aW2, abf2, ag2, ab2,
               cWqkv, cbqkv, cWo, cbo, cg1, cb1, cW1, cbf1, cW2, cbf2, cg2, cb2,
               Qw, pqW, pqb, pkW, pkb, pvW, pvb, poW, pob, lng, lnb,
               out_ref):
    tok = tok_ref[0]
    xe = xe_ref[...]
    ye = ye_ref[...]
    xe = _dot(jnp.maximum(_dot(xe, Lx1[...]) + bx1[...], 0.0), Lx2[...]) + bx2[...]
    ye = _dot(jnp.maximum(_dot(ye, Ly1[...]) + by1[...], 0.0), Ly2[...]) + by2[...]
    tok = tok + jnp.concatenate([xe, ye], axis=-1)

    scale2 = jnp.sqrt(jnp.float32(DH2))
    for (lWqkv, lbqkv, lWo, lbo, lg1, lb1, lW1, lbf1, lW2, lbf2, lg2, lb2) in (
            (aWqkv, abqkv, aWo, abo, ag1, ab1, aW1, abf1, aW2, abf2, ag2, ab2),
            (cWqkv, cbqkv, cWo, cbo, cg1, cb1, cW1, cbf1, cW2, cbf2, cg2, cb2)):
        qkv = _dot(tok, lWqkv[...]) + lbqkv[...]
        oo = None
        for hh in range(H):
            qs = slice(hh * DH2, (hh + 1) * DH2)
            ks = slice(D + hh * DH2, D + (hh + 1) * DH2)
            vs = slice(2 * D + hh * DH2, 2 * D + (hh + 1) * DH2)
            s = jax.lax.dot_general(qkv[:, qs] * (1.0 / scale2), qkv[:, ks],
                                    (((1,), (1,)), ((), ())),
                                    preferred_element_type=_F32)
            e = jnp.exp(s)
            r = 1.0 / jnp.sum(e, axis=-1, keepdims=True)
            hv = _dot(e, qkv[:, vs]) * r
            part = _dot(hv, lWo[slice(hh * DH2, (hh + 1) * DH2), :])
            oo = part if oo is None else oo + part
        oo = oo + lbo[...]
        tok = _ln(tok + oo, lg1[...], lb1[...])
        ff = _dot(jnp.maximum(_dot(tok, lW1[...]) + lbf1[...], 0.0), lW2[...]) + lbf2[...]
        tok = _ln(tok + ff, lg2[...], lb2[...])

    pq = _dot(Qw[...], pqW[...]) + pqb[...]
    pk = _dot(tok, pkW[...]) + pkb[...]
    pv = _dot(tok, pvW[...]) + pvb[...]
    mk = mk_ref[0]
    am = am_ref[...]
    pooled = None
    for hh in range(H):
        sl = slice(hh * DH2, (hh + 1) * DH2)
        s = jax.lax.dot_general(pq[:, sl] * (1.0 / scale2), pk[:, sl],
                                (((1,), (1,)), ((), ())),
                                preferred_element_type=_F32)
        s = s + am
        s = jnp.where(mk > 0.0, -1e9, s)
        aa = _softmax(s)
        hv = _dot(aa, pv[:, sl])
        part = _dot(hv, poW[sl, :])
        pooled = part if pooled is None else pooled + part
    pooled = pooled + pob[...]
    pooled = _ln(pooled, lng[...], lnb[...])

    glob = jnp.mean(tok, axis=0, keepdims=True)
    out_ref[0, 0:1, :] = glob
    out_ref[0, 1:1 + NQ, :] = pooled


def _head_body(f_ref, M1, mb1, gm1, bm1, M2, mb2, gm2, bm2, M3, mb3,
               C1, cb1, C2, cb2, C3, cb3, C4, cb4, out_ref):
    f = f_ref[...]
    m = jnp.maximum(_dot(f, M1[...]) + mb1[...], 0.0)
    m = _ln(m, gm1[...], bm1[...])
    m = jnp.maximum(_dot(m, M2[...]) + mb2[...], 0.0)
    m = _ln(m, gm2[...], bm2[...])
    m = _dot(m, M3[...]) + mb3[...]
    c = jnp.maximum(_dot(m, C1[...]) + cb1[...], 0.0)
    c = jnp.maximum(_dot(c, C2[...]) + cb2[...], 0.0)
    c = jnp.maximum(_dot(c, C3[...]) + cb3[...], 0.0)
    out_ref[...] = _dot(c, C4[...]) + cb4[...]


def _row(v):
    return v.reshape(1, -1)


def kernel(x, params, cellposes, masks):
    p = params
    pos = jnp.clip(cellposes.astype(jnp.int32), 0, MAXP - 1)
    xc = pos[..., 0].reshape(BL)
    yc = pos[..., 1].reshape(BL)
    mkf = masks.astype(_F32).reshape(B, 1, L)
    allowed = jax.random.uniform(jax.random.key(42), (NQ, L)) < 0.3
    am = jnp.where(allowed, 0.0, -1e9).astype(_F32)
    l0, l1 = p['layers']

    xe_rows, ye_rows = _sc_gather(xc, yc, p['Ex'], p['Ey'])

    mha_ins = [x, p['att_Wq'], p['att_Wk'], p['att_Wv'], p['att_Wo'],
               _row(p['att_bo']), p['We'], _row(p['be'])]
    mha_specs = [pl.BlockSpec((1, L, E), lambda b: (b, 0, 0))]
    mha_specs += [pl.BlockSpec(a.shape, lambda b, n=a.ndim: (0,) * n)
                  for a in mha_ins[1:]]
    tok0 = pl.pallas_call(
        _mha_body,
        grid=(B,),
        in_specs=mha_specs,
        out_specs=pl.BlockSpec((1, L, D), lambda b: (b, 0, 0)),
        out_shape=jax.ShapeDtypeStruct((B, L, D), _F32),
    )(*mha_ins)

    batch_ins = [tok0, xe_rows, ye_rows, mkf]
    batch_specs = [
        pl.BlockSpec((1, L, D), lambda b: (b, 0, 0)),
        pl.BlockSpec((L, HD), lambda b: (b, 0)),
        pl.BlockSpec((L, HD), lambda b: (b, 0)),
        pl.BlockSpec((1, 1, L), lambda b: (b, 0, 0)),
    ]
    const_ins = [am,
                 p['Lx1'], _row(p['bx1']), p['Lx2'], _row(p['bx2']),
                 p['Ly1'], _row(p['by1']), p['Ly2'], _row(p['by2'])]
    for lp in (l0, l1):
        const_ins += [lp['Wqkv'], _row(lp['bqkv']), lp['Wo'], _row(lp['bo']),
                      _row(lp['g1']), _row(lp['b1']), lp['W1'], _row(lp['bf1']),
                      lp['W2'], _row(lp['bf2']), _row(lp['g2']), _row(lp['b2'])]
    const_ins += [p['Q'], p['pq_W'], _row(p['pq_b']), p['pk_W'], _row(p['pk_b']),
                  p['pv_W'], _row(p['pv_b']), p['po_W'], _row(p['po_b']),
                  _row(p['ln_g']), _row(p['ln_b'])]
    const_specs = [pl.BlockSpec(a.shape, lambda b, n=a.ndim: (0,) * n)
                   for a in const_ins]

    feat = pl.pallas_call(
        _rest_body,
        grid=(B,),
        in_specs=batch_specs + const_specs,
        out_specs=pl.BlockSpec((1, 1 + NQ, D), lambda b: (b, 0, 0)),
        out_shape=jax.ShapeDtypeStruct((B, 1 + NQ, D), _F32),
    )(*batch_ins, *const_ins)

    feat = feat.reshape(B, (1 + NQ) * D)

    head_ins = [feat,
                p['M1'], _row(p['mb1']), _row(p['gm1']), _row(p['bm1']),
                p['M2'], _row(p['mb2']), _row(p['gm2']), _row(p['bm2']),
                p['M3'], _row(p['mb3']),
                p['C1'], _row(p['cb1']), p['C2'], _row(p['cb2']),
                p['C3'], _row(p['cb3']), p['C4'], _row(p['cb4'])]
    out = pl.pallas_call(
        _head_body,
        out_shape=jax.ShapeDtypeStruct((B, NC), _F32),
    )(*head_ins)
    return out

# --- scband reference (transcript-rebuilt; emitter-appended) ---
"""Pipeline reference for scband-milcell-modelmerge-3444563771661 (READ-ONLY COPY).

The authoritative reference and input builder live on the scoring server;
editing this copy changes nothing except your own understanding.
"""

import jax, jax.numpy as jnp
import numpy as np

B, L, E, D, H, FF, NQ, OUT, NC = 8, 1024, 512, 256, 2, 1024, 4, 1024, 24
MAXP = 1001

def _make_params(key):
    cnt = [0]
    def w(*shape):
        cnt[0] += 1
        return jax.random.normal(jax.random.fold_in(key, cnt[0]), shape, dtype=jnp.float32) * 0.02
    def z(*shape):
        return jnp.zeros(shape, jnp.float32)
    def o(*shape):
        return jnp.ones(shape, jnp.float32)
    p = {}
    p['att_Wq'] = w(E, E); p['att_Wk'] = w(E, E); p['att_Wv'] = w(E, E)
    p['att_Wo'] = w(E, E); p['att_bo'] = z(E)
    p['We'] = w(E, D); p['be'] = z(D)
    hd = D // 2
    p['Ex'] = w(MAXP, hd); p['Lx1'] = w(hd, hd); p['bx1'] = z(hd); p['Lx2'] = w(hd, hd); p['bx2'] = z(hd)
    p['Ey'] = w(MAXP, hd); p['Ly1'] = w(hd, hd); p['by1'] = z(hd); p['Ly2'] = w(hd, hd); p['by2'] = z(hd)
    p['layers'] = [dict(Wqkv=w(D, 3 * D), bqkv=z(3 * D), Wo=w(D, D), bo=z(D), g1=o(D), b1=z(D), W1=w(D, FF), bf1=z(FF), W2=w(FF, D), bf2=z(D), g2=o(D), b2=z(D)) for _ in range(2)]
    p['Q'] = w(NQ, D)
    p['pq_W'] = w(D, D); p['pq_b'] = z(D); p['pk_W'] = w(D, D); p['pk_b'] = z(D)
    p['pv_W'] = w(D, D); p['pv_b'] = z(D); p['po_W'] = w(D, D); p['po_b'] = z(D)
    p['ln_g'] = o(D); p['ln_b'] = z(D)
    p['M1'] = w(D * (1 + NQ), 1024); p['mb1'] = z(1024); p['gm1'] = o(1024); p['bm1'] = z(1024)
    p['M2'] = w(1024, OUT); p['mb2'] = z(OUT); p['gm2'] = o(OUT); p['bm2'] = z(OUT)
    p['M3'] = w(OUT, OUT); p['mb3'] = z(OUT)
    p['C1'] = w(OUT, 1032); p['cb1'] = z(1032)
    p['C2'] = w(1032, 512); p['cb2'] = z(512)
    p['C3'] = w(512, 256); p['cb3'] = z(256)
    p['C4'] = w(256, NC); p['cb4'] = z(NC)
    return p

def setup_inputs(seed: int = 0):
    key = jax.random.key(seed)
    x = jax.random.normal(jax.random.fold_in(key, 1), (B, L, E), dtype=jnp.float32)
    cellposes = jax.random.randint(jax.random.fold_in(key, 2), (B, L, 2), 0, 1000)
    masks = jnp.zeros((B, L), dtype=bool)
    params = _make_params(jax.random.fold_in(key, 3))
    return {'x': x, 'params': params, 'cellposes': cellposes, 'masks': masks}

def _ln(x, g, b, eps=1e-5):
    m = jnp.mean(x, -1, keepdims=True)
    v = jnp.mean((x - m) ** 2, -1, keepdims=True)
    return g * (x - m) / jnp.sqrt(v + eps) + b

def _forward(x, params, cellposes, masks):
    Bx, Lx, Ed = x.shape
    h = H
    dh = Ed // h
    q = (x @ params['att_Wq']).reshape(Bx, Lx, h, dh)
    k = (x @ params['att_Wk']).reshape(Bx, Lx, h, dh)
    v = (x @ params['att_Wv']).reshape(Bx, Lx, h, dh)
    en = jnp.einsum('nqhd,nkhd->nhqk', q, k)
    at = jax.nn.softmax(en / jnp.sqrt(float(Ed)), axis=3)
    a = jnp.einsum('nhql,nlhd->nqhd', at, v).reshape(Bx, Lx, Ed)
    a = a @ params['att_Wo'] + params['att_bo']
    tok = a @ params['We'] + params['be']
    pos = jnp.clip(cellposes, 0, MAXP - 1)
    xc = pos[..., 0]
    yc = pos[..., 1]
    xe = jnp.take(params['Ex'], xc, axis=0)
    xe = jax.nn.relu(xe @ params['Lx1'] + params['bx1']) @ params['Lx2'] + params['bx2']
    ye = jnp.take(params['Ey'], yc, axis=0)
    ye = jax.nn.relu(ye @ params['Ly1'] + params['by1']) @ params['Ly2'] + params['by2']
    tok = tok + jnp.concatenate([xe, ye], axis=-1)
    dh2 = D // h
    for lp in params['layers']:
        qkv = tok @ lp['Wqkv'] + lp['bqkv']
        qq, kk, vv = jnp.split(qkv, 3, axis=-1)
        qq = qq.reshape(Bx, Lx, h, dh2).transpose(0, 2, 1, 3)
        kk = kk.reshape(Bx, Lx, h, dh2).transpose(0, 2, 1, 3)
        vv = vv.reshape(Bx, Lx, h, dh2).transpose(0, 2, 1, 3)
        s = jnp.einsum('bhqd,bhkd->bhqk', qq, kk) / jnp.sqrt(float(dh2))
        aa = jax.nn.softmax(s, axis=-1)
        oo = jnp.einsum('bhqk,bhkd->bhqd', aa, vv).transpose(0, 2, 1, 3).reshape(Bx, Lx, D)
        oo = oo @ lp['Wo'] + lp['bo']
        tok = _ln(tok + oo, lp['g1'], lp['b1'])
        ff = jax.nn.relu(tok @ lp['W1'] + lp['bf1']) @ lp['W2'] + lp['bf2']
        tok = _ln(tok + ff, lp['g2'], lp['b2'])
    allowed = jax.random.uniform(jax.random.key(42), (NQ, Lx)) < 0.3
    attn_mask = jnp.where(allowed, 0.0, -1e9).astype(jnp.float32)
    qx = jnp.broadcast_to(params['Q'][None], (Bx, NQ, D))
    pq = (qx @ params['pq_W'] + params['pq_b']).reshape(Bx, NQ, h, dh2).transpose(0, 2, 1, 3)
    pk = (tok @ params['pk_W'] + params['pk_b']).reshape(Bx, Lx, h, dh2).transpose(0, 2, 1, 3)
    pv = (tok @ params['pv_W'] + params['pv_b']).reshape(Bx, Lx, h, dh2).transpose(0, 2, 1, 3)
    s = jnp.einsum('bhqd,bhkd->bhqk', pq, pk) / jnp.sqrt(float(dh2))
    s = s + attn_mask[None, None]
    s = jnp.where(masks[:, None, None, :], -1e9, s)
    aa = jax.nn.softmax(s, axis=-1)
    pooled = jnp.einsum('bhqk,bhkd->bhqd', aa, pv).transpose(0, 2, 1, 3).reshape(Bx, NQ, D)
    pooled = pooled @ params['po_W'] + params['po_b']
    pooled = _ln(pooled, params['ln_g'], params['ln_b'])
    glob = jnp.mean(tok, axis=1)
    feat = jnp.concatenate([glob, pooled.reshape(Bx, NQ * D)], axis=-1)
    m = jax.nn.relu(feat @ params['M1'] + params['mb1'])
    m = _ln(m, params['gm1'], params['bm1'])
    m = jax.nn.relu(m @ params['M2'] + params['mb2'])
    m = _ln(m, params['gm2'], params['bm2'])
    m = m @ params['M3'] + params['mb3']
    c = jax.nn.relu(m @ params['C1'] + params['cb1'])
    c = jax.nn.relu(c @ params['C2'] + params['cb2'])
    c = jax.nn.relu(c @ params['C3'] + params['cb3'])
    return c @ params['C4'] + params['cb4']

def reference(x, params, cellposes, masks):
    return _forward(x, params, cellposes, masks)

if __name__ == "__main__":
    import jax
    _d = setup_inputs()
    print(jax.jit(kernel)(*tuple(_d.values())))

</pallas_src>

<mosaic_0001>
#map = affine_map<(d0, d1) -> (0)>
#map1 = affine_map<(d0, d1) -> (0, 0)>
module attributes {stable_mosaic.version = 14 : i64} {
  func.func @_sc_gather(%arg0: i32, %arg1: i32, %arg2: memref<8192xi32, #tpu.memory_space<hbm>>, %arg3: memref<8192xi32, #tpu.memory_space<hbm>>, %arg4: memref<1001x128xf32, #tpu.memory_space<hbm>>, %arg5: memref<1001x128xf32, #tpu.memory_space<hbm>>, %arg6: memref<8192x128xf32, #tpu.memory_space<hbm>>, %arg7: memref<8192x128xf32, #tpu.memory_space<hbm>>, %arg8: memref<128xi32, #tpu.memory_space<vmem>>, %arg9: memref<128x128xf32, #tpu.memory_space<vmem>>, %arg10: memref<!tpu.dma_semaphore, #tpu.memory_space<semaphore_mem>>) attributes {dimension_semantics = [#tpu.dimension_semantics<core_parallel>, #tpu.dimension_semantics<subcore_parallel>], iteration_bounds = array<i64: 2, 16>, scalar_prefetch = 0 : i64, scratch_operands = 3 : i64, tpu.core_type = #tpu.core_type<sc_vector_subcore>, window_params = [{transform_indices = #map}, {transform_indices = #map}, {transform_indices = #map1}, {transform_indices = #map1}, {transform_indices = #map1}, {transform_indices = #map1}]} {
    %mul3A = arith.constant 2 : i32
    %mul3A_0 = arith.muli %arg1, %mul3A : i32
    %add3A = arith.addi %mul3A_0, %arg0 : i32
    %mul3A_1 = arith.constant 256 : i32
    %mul3A_2 = arith.muli %add3A, %mul3A_1 : i32
    %add3A_3 = arith.constant 0 : i32
    %add3A_4 = arith.addi %mul3A_2, %add3A_3 : i32
    "tpu.region"() ({
      %run_scoped3A = tpu.sem_alloc : memref<!tpu.dma_semaphore, #tpu.memory_space<semaphore_mem>>
      %dma_start3A_33 = tpu.memref_slice %arg2[%add3A_4] : memref<8192xi32, #tpu.memory_space<hbm>> -> memref<128xi32, #tpu.memory_space<hbm>>
      %dma_start3A_34 = tpu.memref_slice %arg2[%add3A_4] : memref<8192xi32, #tpu.memory_space<hbm>> -> memref<128xi32, #tpu.memory_space<hbm>>
      tpu.enqueue_dma source(%dma_start3A_34 : memref<128xi32, #tpu.memory_space<hbm>>) target(%arg8 : memref<128xi32, #tpu.memory_space<vmem>>) target_semaphore(%run_scoped3A : memref<!tpu.dma_semaphore, #tpu.memory_space<semaphore_mem>>)
      %dma_wait3A_35 = tpu.memref_slice %arg2[%add3A_4] : memref<8192xi32, #tpu.memory_space<hbm>> -> memref<128xi32, #tpu.memory_space<hbm>>
      %dma_wait3A_36 = tpu.memref_slice %arg2[%add3A_4] : memref<8192xi32, #tpu.memory_space<hbm>> -> memref<128xi32, #tpu.memory_space<hbm>>
      tpu.wait_dma2 semaphore(%run_scoped3A : memref<!tpu.dma_semaphore, #tpu.memory_space<semaphore_mem>>) src(%dma_wait3A_36 : memref<128xi32, #tpu.memory_space<hbm>>) dst(%arg8 : memref<128xi32, #tpu.memory_space<vmem>>)
      tpu.yield
    }) : () -> ()
    %dma_start3A = arith.constant 0 : i32
    %dma_start3A_5 = arith.constant 0 : i32
    %dma_start3A_6 = tpu.memref_slice %arg4[%dma_start3A, %dma_start3A_5] : memref<1001x128xf32, #tpu.memory_space<hbm>> -> memref<1001x128xf32, #tpu.memory_space<hbm>>
    tpu.enqueue_indirect_dma source(%dma_start3A_6 : memref<1001x128xf32, #tpu.memory_space<hbm>>) target(%arg9 : memref<128x128xf32, #tpu.memory_space<vmem>>) offsets(%arg8 : memref<128xi32, #tpu.memory_space<vmem>>) semaphore(%arg10 : memref<!tpu.dma_semaphore, #tpu.memory_space<semaphore_mem>>)
    %dma_wait3A = arith.constant 0 : i32
    %dma_wait3A_7 = arith.constant 0 : i32
    %dma_wait3A_8 = tpu.memref_slice %arg4[%dma_wait3A, %dma_wait3A_7] : memref<1001x128xf32, #tpu.memory_space<hbm>> -> memref<1001x128xf32, #tpu.memory_space<hbm>>
    tpu.wait_indirect_dma semaphore(%arg10 : memref<!tpu.dma_semaphore, #tpu.memory_space<semaphore_mem>>) src(%dma_wait3A_8 : memref<1001x128xf32, #tpu.memory_space<hbm>>) dst(%arg9 : memref<128x128xf32, #tpu.memory_space<vmem>>)
    "tpu.region"() ({
      %run_scoped3A = tpu.sem_alloc : memref<!tpu.dma_semaphore, #tpu.memory_space<semaphore_mem>>
      %dma_start3A_33 = arith.constant 0 : i32
      %dma_start3A_34 = tpu.memref_slice %arg6[%add3A_4, %dma_start3A_33] : memref<8192x128xf32, #tpu.memory_space<hbm>> -> memref<128x128xf32, #tpu.memory_space<hbm>>
      %dma_start3A_35 = arith.constant 0 : i32
      %dma_start3A_36 = tpu.memref_slice %arg6[%add3A_4, %dma_start3A_35] : memref<8192x128xf32, #tpu.memory_space<hbm>> -> memref<128x128xf32, #tpu.memory_space<hbm>>
      tpu.enqueue_dma source(%arg9 : memref<128x128xf32, #tpu.memory_space<vmem>>) target(%dma_start3A_36 : memref<128x128xf32, #tpu.memory_space<hbm>>) target_semaphore(%run_scoped3A : memref<!tpu.dma_semaphore, #tpu.memory_space<semaphore_mem>>)
      %dma_wait3A_37 = arith.constant 0 : i32
      %dma_wait3A_38 = tpu.memref_slice %arg6[%add3A_4, %dma_wait3A_37] : memref<8192x128xf32, #tpu.memory_space<hbm>> -> memref<128x128xf32, #tpu.memory_space<hbm>>
      %dma_wait3A_39 = arith.constant 0 : i32
      %dma_wait3A_40 = tpu.memref_slice %arg6[%add3A_4, %dma_wait3A_39] : memref<8192x128xf32, #tpu.memory_space<hbm>> -> memref<128x128xf32, #tpu.memory_space<hbm>>
      tpu.wait_dma2 semaphore(%run_scoped3A : memref<!tpu.dma_semaphore, #tpu.memory_space<semaphore_mem>>) src(%arg9 : memref<128x128xf32, #tpu.memory_space<vmem>>) dst(%dma_wait3A_40 : memref<128x128xf32, #tpu.memory_space<hbm>>)
      tpu.yield
    }) : () -> ()
    %add3A_9 = arith.constant 128 : i32
    %add3A_10 = arith.addi %mul3A_2, %add3A_9 : i32
    "tpu.region"() ({
      %run_scoped3A = tpu.sem_alloc : memref<!tpu.dma_semaphore, #tpu.memory_space<semaphore_mem>>
      %dma_start3A_33 = tpu.memref_slice %arg2[%add3A_10] : memref<8192xi32, #tpu.memory_space<hbm>> -> memref<128xi32, #tpu.memory_space<hbm>>
      %dma_start3A_34 = tpu.memref_slice %arg2[%add3A_10] : memref<8192xi32, #tpu.memory_space<hbm>> -> memref<128xi32, #tpu.memory_space<hbm>>
      tpu.enqueue_dma source(%dma_start3A_34 : memref<128xi32, #tpu.memory_space<hbm>>) target(%arg8 : memref<128xi32, #tpu.memory_space<vmem>>) target_semaphore(%run_scoped3A : memref<!tpu.dma_semaphore, #tpu.memory_space<semaphore_mem>>)
      %dma_wait3A_35 = tpu.memref_slice %arg2[%add3A_10] : memref<8192xi32, #tpu.memory_space<hbm>> -> memref<128xi32, #tpu.memory_space<hbm>>
      %dma_wait3A_36 = tpu.memref_slice %arg2[%add3A_10] : memref<8192xi32, #tpu.memory_space<hbm>> -> memref<128xi32, #tpu.memory_space<hbm>>
      tpu.wait_dma2 semaphore(%run_scoped3A : memref<!tpu.dma_semaphore, #tpu.memory_space<semaphore_mem>>) src(%dma_wait3A_36 : memref<128xi32, #tpu.memory_space<hbm>>) dst(%arg8 : memref<128xi32, #tpu.memory_space<vmem>>)
      tpu.yield
    }) : () -> ()
    %dma_start3A_11 = arith.constant 0 : i32
    %dma_start3A_12 = arith.constant 0 : i32
    %dma_start3A_13 = tpu.memref_slice %arg4[%dma_start3A_11, %dma_start3A_12] : memref<1001x128xf32, #tpu.memory_space<hbm>> -> memref<1001x128xf32, #tpu.memory_space<hbm>>
    tpu.enqueue_indirect_dma source(%dma_start3A_13 : memref<1001x128xf32, #tpu.memory_space<hbm>>) target(%arg9 : memref<128x128xf32, #tpu.memory_space<vmem>>) offsets(%arg8 : memref<128xi32, #tpu.memory_space<vmem>>) semaphore(%arg10 : memref<!tpu.dma_semaphore, #tpu.memory_space<semaphore_mem>>)
    %dma_wait3A_14 = arith.constant 0 : i32
    %dma_wait3A_15 = arith.constant 0 : i32
    %dma_wait3A_16 = tpu.memref_slice %arg4[%dma_wait3A_14, %dma_wait3A_15] : memref<1001x128xf32, #tpu.memory_space<hbm>> -> memref<1001x128xf32, #tpu.memory_space<hbm>>
    tpu.wait_indirect_dma semaphore(%arg10 : memref<!tpu.dma_semaphore, #tpu.memory_space<semaphore_mem>>) src(%dma_wait3A_16 : memref<1001x128xf32, #tpu.memory_space<hbm>>) dst(%arg9 : memref<128x128xf32, #tpu.memory_space<vmem>>)
    "tpu.region"() ({
      %run_scoped3A = tpu.sem_alloc : memref<!tpu.dma_semaphore, #tpu.memory_space<semaphore_mem>>
      %dma_start3A_33 = arith.constant 0 : i32
      %dma_start3A_34 = tpu.memref_slice %arg6[%add3A_10, %dma_start3A_33] : memref<8192x128xf32, #tpu.memory_space<hbm>> -> memref<128x128xf32, #tpu.memory_space<hbm>>
      %dma_start3A_35 = arith.constant 0 : i32
      %dma_start3A_36 = tpu.memref_slice %arg6[%add3A_10, %dma_start3A_35] : memref<8192x128xf32, #tpu.memory_space<hbm>> -> memref<128x128xf32, #tpu.memory_space<hbm>>
      tpu.enqueue_dma source(%arg9 : memref<128x128xf32, #tpu.memory_space<vmem>>) target(%dma_start3A_36 : memref<128x128xf32, #tpu.memory_space<hbm>>) target_semaphore(%run_scoped3A : memref<!tpu.dma_semaphore, #tpu.memory_space<semaphore_mem>>)
      %dma_wait3A_37 = arith.constant 0 : i32
      %dma_wait3A_38 = tpu.memref_slice %arg6[%add3A_10, %dma_wait3A_37] : memref<8192x128xf32, #tpu.memory_space<hbm>> -> memref<128x128xf32, #tpu.memory_space<hbm>>
      %dma_wait3A_39 = arith.constant 0 : i32
      %dma_wait3A_40 = tpu.memref_slice %arg6[%add3A_10, %dma_wait3A_39] : memref<8192x128xf32, #tpu.memory_space<hbm>> -> memref<128x128xf32, #tpu.memory_space<hbm>>
      tpu.wait_dma2 semaphore(%run_scoped3A : memref<!tpu.dma_semaphore, #tpu.memory_space<semaphore_mem>>) src(%arg9 : memref<128x128xf32, #tpu.memory_space<vmem>>) dst(%dma_wait3A_40 : memref<128x128xf32, #tpu.memory_space<hbm>>)
      tpu.yield
    }) : () -> ()
    %add3A_17 = arith.constant 0 : i32
    %add3A_18 = arith.addi %mul3A_2, %add3A_17 : i32
    "tpu.region"() ({
      %run_scoped3A = tpu.sem_alloc : memref<!tpu.dma_semaphore, #tpu.memory_space<semaphore_mem>>
      %dma_start3A_33 = tpu.memref_slice %arg3[%add3A_18] : memref<8192xi32, #tpu.memory_space<hbm>> -> memref<128xi32, #tpu.memory_space<hbm>>
      %dma_start3A_34 = tpu.memref_slice %arg3[%add3A_18] : memref<8192xi32, #tpu.memory_space<hbm>> -> memref<128xi32, #tpu.memory_space<hbm>>
      tpu.enqueue_dma source(%dma_start3A_34 : memref<128xi32, #tpu.memory_space<hbm>>) target(%arg8 : memref<128xi32, #tpu.memory_space<vmem>>) target_semaphore(%run_scoped3A : memref<!tpu.dma_semaphore, #tpu.memory_space<semaphore_mem>>)
      %dma_wait3A_35 = tpu.memref_slice %arg3[%add3A_18] : memref<8192xi32, #tpu.memory_space<hbm>> -> memref<128xi32, #tpu.memory_space<hbm>>
      %dma_wait3A_36 = tpu.memref_slice %arg3[%add3A_18] : memref<8192xi32, #tpu.memory_space<hbm>> -> memref<128xi32, #tpu.memory_space<hbm>>
      tpu.wait_dma2 semaphore(%run_scoped3A : memref<!tpu.dma_semaphore, #tpu.memory_space<semaphore_mem>>) src(%dma_wait3A_36 : memref<128xi32, #tpu.memory_space<hbm>>) dst(%arg8 : memref<128xi32, #tpu.memory_space<vmem>>)
      tpu.yield
    }) : () -> ()
    %dma_start3A_19 = arith.constant 0 : i32
    %dma_start3A_20 = arith.constant 0 : i32
    %dma_start3A_21 = tpu.memref_slice %arg5[%dma_start3A_19, %dma_start3A_20] : memref<1001x128xf32, #tpu.memory_space<hbm>> -> memref<1001x128xf32, #tpu.memory_space<hbm>>
    tpu.enqueue_indirect_dma source(%dma_start3A_21 : memref<1001x128xf32, #tpu.memory_space<hbm>>) target(%arg9 : memref<128x128xf32, #tpu.memory_space<vmem>>) offsets(%arg8 : memref<128xi32, #tpu.memory_space<vmem>>) semaphore(%arg10 : memref<!tpu.dma_semaphore, #tpu.memory_space<semaphore_mem>>)
    %dma_wait3A_22 = arith.constant 0 : i32
    %dma_wait3A_23 = arith.constant 0 : i32
    %dma_wait3A_24 = tpu.memref_slice %arg5[%dma_wait3A_22, %dma_wait3A_23] : memref<1001x128xf32, #tpu.memory_space<hbm>> -> memref<1001x128xf32, #tpu.memory_space<hbm>>
    tpu.wait_indirect_dma semaphore(%arg10 : memref<!tpu.dma_semaphore, #tpu.memory_space<semaphore_mem>>) src(%dma_wait3A_24 : memref<1001x128xf32, #tpu.memory_space<hbm>>) dst(%arg9 : memref<128x128xf32, #tpu.memory_space<vmem>>)
    "tpu.region"() ({
      %run_scoped3A = tpu.sem_alloc : memref<!tpu.dma_semaphore, #tpu.memory_space<semaphore_mem>>
      %dma_start3A_33 = arith.constant 0 : i32
      %dma_start3A_34 = tpu.memref_slice %arg7[%add3A_18, %dma_start3A_33] : memref<8192x128xf32, #tpu.memory_space<hbm>> -> memref<128x128xf32, #tpu.memory_space<hbm>>
      %dma_start3A_35 = arith.constant 0 : i32
      %dma_start3A_36 = tpu.memref_slice %arg7[%add3A_18, %dma_start3A_35] : memref<8192x128xf32, #tpu.memory_space<hbm>> -> memref<128x128xf32, #tpu.memory_space<hbm>>
      tpu.enqueue_dma source(%arg9 : memref<128x128xf32, #tpu.memory_space<vmem>>) target(%dma_start3A_36 : memref<128x128xf32, #tpu.memory_space<hbm>>) target_semaphore(%run_scoped3A : memref<!tpu.dma_semaphore, #tpu.memory_space<semaphore_mem>>)
      %dma_wait3A_37 = arith.constant 0 : i32
      %dma_wait3A_38 = tpu.memref_slice %arg7[%add3A_18, %dma_wait3A_37] : memref<8192x128xf32, #tpu.memory_space<hbm>> -> memref<128x128xf32, #tpu.memory_space<hbm>>
      %dma_wait3A_39 = arith.constant 0 : i32
      %dma_wait3A_40 = tpu.memref_slice %arg7[%add3A_18, %dma_wait3A_39] : memref<8192x128xf32, #tpu.memory_space<hbm>> -> memref<128x128xf32, #tpu.memory_space<hbm>>
      tpu.wait_dma2 semaphore(%run_scoped3A : memref<!tpu.dma_semaphore, #tpu.memory_space<semaphore_mem>>) src(%arg9 : memref<128x128xf32, #tpu.memory_space<vmem>>) dst(%dma_wait3A_40 : memref<128x128xf32, #tpu.memory_space<hbm>>)
      tpu.yield
    }) : () -> ()
    %add3A_25 = arith.constant 128 : i32
    %add3A_26 = arith.addi %mul3A_2, %add3A_25 : i32
    "tpu.region"() ({
      %run_scoped3A = tpu.sem_alloc : memref<!tpu.dma_semaphore, #tpu.memory_space<semaphore_mem>>
      %dma_start3A_33 = tpu.memref_slice %arg3[%add3A_26] : memref<8192xi32, #tpu.memory_space<hbm>> -> memref<128xi32, #tpu.memory_space<hbm>>
      %dma_start3A_34 = tpu.memref_slice %arg3[%add3A_26] : memref<8192xi32, #tpu.memory_space<hbm>> -> memref<128xi32, #tpu.memory_space<hbm>>
      tpu.enqueue_dma source(%dma_start3A_34 : memref<128xi32, #tpu.memory_space<hbm>>) target(%arg8 : memref<128xi32, #tpu.memory_space<vmem>>) target_semaphore(%run_scoped3A : memref<!tpu.dma_semaphore, #tpu.memory_space<semaphore_mem>>)
      %dma_wait3A_35 = tpu.memref_slice %arg3[%add3A_26] : memref<8192xi32, #tpu.memory_space<hbm>> -> memref<128xi32, #tpu.memory_space<hbm>>
      %dma_wait3A_36 = tpu.memref_slice %arg3[%add3A_26] : memref<8192xi32, #tpu.memory_space<hbm>> -> memref<128xi32, #tpu.memory_space<hbm>>
      tpu.wait_dma2 semaphore(%run_scoped3A : memref<!tpu.dma_semaphore, #tpu.memory_space<semaphore_mem>>) src(%dma_wait3A_36 : memref<128xi32, #tpu.memory_space<hbm>>) dst(%arg8 : memref<128xi32, #tpu.memory_space<vmem>>)
      tpu.yield
    }) : () -> ()
    %dma_start3A_27 = arith.constant 0 : i32
    %dma_start3A_28 = arith.constant 0 : i32
    %dma_start3A_29 = tpu.memref_slice %arg5[%dma_start3A_27, %dma_start3A_28] : memref<1001x128xf32, #tpu.memory_space<hbm>> -> memref<1001x128xf32, #tpu.memory_space<hbm>>
    tpu.enqueue_indirect_dma source(%dma_start3A_29 : memref<1001x128xf32, #tpu.memory_space<hbm>>) target(%arg9 : memref<128x128xf32, #tpu.memory_space<vmem>>) offsets(%arg8 : memref<128xi32, #tpu.memory_space<vmem>>) semaphore(%arg10 : memref<!tpu.dma_semaphore, #tpu.memory_space<semaphore_mem>>)
    %dma_wait3A_30 = arith.constant 0 : i32
    %dma_wait3A_31 = arith.constant 0 : i32
    %dma_wait3A_32 = tpu.memref_slice %arg5[%dma_wait3A_30, %dma_wait3A_31] : memref<1001x128xf32, #tpu.memory_space<hbm>> -> memref<1001x128xf32, #tpu.memory_space<hbm>>
    tpu.wait_indirect_dma semaphore(%arg10 : memref<!tpu.dma_semaphore, #tpu.memory_space<semaphore_mem>>) src(%dma_wait3A_32 : memref<1001x128xf32, #tpu.memory_space<hbm>>) dst(%arg9 : memref<128x128xf32, #tpu.memory_space<vmem>>)
    "tpu.region"() ({
      %run_scoped3A = tpu.sem_alloc : memref<!tpu.dma_semaphore, #tpu.memory_space<semaphore_mem>>
      %dma_start3A_33 = arith.constant 0 : i32
      %dma_start3A_34 = tpu.memref_slice %arg7[%add3A_26, %dma_start3A_33] : memref<8192x128xf32, #tpu.memory_space<hbm>> -> memref<128x128xf32, #tpu.memory_space<hbm>>
      %dma_start3A_35 = arith.constant 0 : i32
      %dma_start3A_36 = tpu.memref_slice %arg7[%add3A_26, %dma_start3A_35] : memref<8192x128xf32, #tpu.memory_space<hbm>> -> memref<128x128xf32, #tpu.memory_space<hbm>>
      tpu.enqueue_dma source(%arg9 : memref<128x128xf32, #tpu.memory_space<vmem>>) target(%dma_start3A_36 : memref<128x128xf32, #tpu.memory_space<hbm>>) target_semaphore(%run_scoped3A : memref<!tpu.dma_semaphore, #tpu.memory_space<semaphore_mem>>)
      %dma_wait3A_37 = arith.constant 0 : i32
      %dma_wait3A_38 = tpu.memref_slice %arg7[%add3A_26, %dma_wait3A_37] : memref<8192x128xf32, #tpu.memory_space<hbm>> -> memref<128x128xf32, #tpu.memory_space<hbm>>
      %dma_wait3A_39 = arith.constant 0 : i32
      %dma_wait3A_40 = tpu.memref_slice %arg7[%add3A_26, %dma_wait3A_39] : memref<8192x128xf32, #tpu.memory_space<hbm>> -> memref<128x128xf32, #tpu.memory_space<hbm>>
      tpu.wait_dma2 semaphore(%run_scoped3A : memref<!tpu.dma_semaphore, #tpu.memory_space<semaphore_mem>>) src(%arg9 : memref<128x128xf32, #tpu.memory_space<vmem>>) dst(%dma_wait3A_40 : memref<128x128xf32, #tpu.memory_space<hbm>>)
      tpu.yield
    }) : () -> ()
    return
  }
}

module attributes {stable_mosaic.version = 14 : i64} {
  func.func @_mha_body(%arg0: i32, %arg1: memref<1x1024x512xf32, #tpu.memory_space<vmem>>, %arg2: memref<512x512xf32, #tpu.memory_space<vmem>>, %arg3: memref<512x512xf32, #tpu.memory_space<vmem>>, %arg4: memref<512x512xf32, #tpu.memory_space<vmem>>, %arg5: memref<512x512xf32, #tpu.memory_space<vmem>>, %arg6: memref<1x512xf32, #tpu.memory_space<vmem>>, %arg7: memref<512x256xf32, #tpu.memory_space<vmem>>, %arg8: memref<1x256xf32, #tpu.memory_space<vmem>>, %arg9: memref<1x1024x256xf32, #tpu.memory_space<vmem>>) attributes {dimension_semantics = [#tpu.dimension_semantics<arbitrary>], iteration_bounds = array<i64: 8>, scalar_prefetch = 0 : i64, scratch_operands = 0 : i64, tpu.core_type = #tpu.core_type<tc>, window_params = [{transform_indices = @transform_0, window_bounds = array<i64: 1, 1024, 512>}, {pipeline_mode = #tpu.pipeline_mode<synchronous>, transform_indices = @transform_1, window_bounds = array<i64: 512, 512>}, {pipeline_mode = #tpu.pipeline_mode<synchronous>, transform_indices = @transform_2, window_bounds = array<i64: 512, 512>}, {pipeline_mode = #tpu.pipeline_mode<synchronous>, transform_indices = @transform_3, window_bounds = array<i64: 512, 512>}, {pipeline_mode = #tpu.pipeline_mode<synchronous>, transform_indices = @transform_4, window_bounds = array<i64: 512, 512>}, {pipeline_mode = #tpu.pipeline_mode<synchronous>, transform_indices = @transform_5, window_bounds = array<i64: 1, 512>}, {pipeline_mode = #tpu.pipeline_mode<synchronous>, transform_indices = @transform_6, window_bounds = array<i64: 512, 256>}, {pipeline_mode = #tpu.pipeline_mode<synchronous>, transform_indices = @transform_7, window_bounds = array<i64: 1, 256>}, {transform_indices = @transform_8, window_bounds = array<i64: 1, 1024, 256>}]} {
    %get3A = arith.constant 0 : index
    %get3A_0 = arith.constant 0 : index
    %get3A_1 = arith.constant 0 : index
    %get3A_2 = vector.load %arg1[%get3A, %get3A_0, %get3A_1] : memref<1x1024x512xf32, #tpu.memory_space<vmem>>, vector<1x1024x512xf32>
    %get3A_3 = vector.shape_cast %get3A_2 : vector<1x1024x512xf32> to vector<1024x512xf32>
    %get3A_4 = arith.constant 0 : index
    %get3A_5 = arith.constant 0 : index
    %get3A_6 = vector.load %arg2[%get3A_4, %get3A_5] : memref<512x512xf32, #tpu.memory_space<vmem>>, vector<512x512xf32>
    %dot_general3A = arith.constant dense<0.000000e+00> : vector<1024x512xf32>
    %dot_general3A_7 = tpu.matmul %get3A_3, %get3A_6, %dot_general3A {dimension_numbers = #tpu.dot_dimension_numbers<[1], [0], [0], [1], [0, 0, 1, 1], [], []>, transpose_lhs_hint = false} : vector<1024x512xf32>, vector<512x512xf32>, vector<1024x512xf32> -> vector<1024x512xf32>
    %sqrt3A = arith.constant 5.120000e+02 : f32
    %sqrt3A_8 = math.sqrt %sqrt3A : f32
    %div3A = arith.constant 1.000000e+00 : f32
    %div3A_9 = arith.divf %div3A, %sqrt3A_8 : f32
    %mul3A = vector.broadcast %div3A_9 : f32 to vector<1024x512xf32>
    %mul3A_10 = arith.mulf %dot_general3A_7, %mul3A : vector<1024x512xf32>
    %get3A_11 = arith.constant 0 : index
    %get3A_12 = arith.constant 0 : index
    %get3A_13 = vector.load %arg3[%get3A_11, %get3A_12] : memref<512x512xf32, #tpu.memory_space<vmem>>, vector<512x512xf32>
    %dot_general3A_14 = arith.constant dense<0.000000e+00> : vector<1024x512xf32>
    %dot_general3A_15 = tpu.matmul %get3A_3, %get3A_13, %dot_general3A_14 {dimension_numbers = #tpu.dot_dimension_numbers<[1], [0], [0], [1], [0, 0, 1, 1], [], []>, transpose_lhs_hint = false} : vector<1024x512xf32>, vector<512x512xf32>, vector<1024x512xf32> -> vector<1024x512xf32>
    %get3A_16 = arith.constant 0 : index
    %get3A_17 = arith.constant 0 : index
    %get3A_18 = vector.load %arg4[%get3A_16, %get3A_17] : memref<512x512xf32, #tpu.memory_space<vmem>>, vector<512x512xf32>
    %dot_general3A_19 = arith.constant dense<0.000000e+00> : vector<1024x512xf32>
    %dot_general3A_20 = tpu.matmul %get3A_3, %get3A_18, %dot_general3A_19 {dimension_numbers = #tpu.dot_dimension_numbers<[1], [0], [0], [1], [0, 0, 1, 1], [], []>, transpose_lhs_hint = false} : vector<1024x512xf32>, vector<512x512xf32>, vector<1024x512xf32> -> vector<1024x512xf32>
    %get3A_21 = arith.constant 0 : index
    %get3A_22 = arith.constant 0 : index
    %get3A_23 = vector.load %arg5[%get3A_21, %get3A_22] : memref<512x512xf32, #tpu.memory_space<vmem>>, vector<512x512xf32>
    %get3A_24 = arith.constant 0 : index
    %get3A_25 = arith.constant 0 : index
    %get3A_26 = vector.load %arg7[%get3A_24, %get3A_25] : memref<512x256xf32, #tpu.memory_space<vmem>>, vector<512x256xf32>
    %dot_general3A_27 = arith.constant dense<0.000000e+00> : vector<512x256xf32>
    %dot_general3A_28 = tpu.matmul %get3A_23, %get3A_26, %dot_general3A_27 {dimension_numbers = #tpu.dot_dimension_numbers<[1], [0], [0], [1], [0, 0, 1, 1], [], []>, transpose_lhs_hint = false} : vector<512x512xf32>, vector<512x256xf32>, vector<512x256xf32> -> vector<512x256xf32>
    %slice3A = vector.extract_strided_slice %mul3A_10 {offsets = [0, 0], sizes = [1024, 256], strides = [1, 1]} : vector<1024x512xf32> to vector<1024x256xf32>
    %slice3A_29 = vector.extract_strided_slice %dot_general3A_15 {offsets = [0, 0], sizes = [1024, 256], strides = [1, 1]} : vector<1024x512xf32> to vector<1024x256xf32>
    %dot_general3A_30 = arith.constant dense<0.000000e+00> : vector<1024x1024xf32>
    %dot_general3A_31 = tpu.matmul %slice3A, %slice3A_29, %dot_general3A_30 {dimension_numbers = #tpu.dot_dimension_numbers<[1], [1], [0], [0], [0, 0, 1, 0], [], []>, transpose_lhs_hint = false} : vector<1024x256xf32>, vector<1024x256xf32>, vector<1024x1024xf32> -> vector<1024x1024xf32>
    %exp3A = math.exp %dot_general3A_31 : vector<1024x1024xf32>
    %reduce_sum3A = arith.constant dense<0.000000e+00> : vector<1024xf32>
    %reduce_sum3A_32 = vector.multi_reduction <add>, %exp3A, %reduce_sum3A [1] : vector<1024x1024xf32> to vector<1024xf32>
    %broadcast_in_dim3A = vector.shape_cast %reduce_sum3A_32 : vector<1024xf32> to vector<1024x1xf32>
    %div3A_33 = arith.constant 1.000000e+00 : f32
    %div3A_34 = vector.broadcast %div3A_33 : f32 to vector<1024x1xf32>
    %div3A_35 = arith.divf %div3A_34, %broadcast_in_dim3A : vector<1024x1xf32>
    %slice3A_36 = vector.extract_strided_slice %dot_general3A_20 {offsets = [0, 0], sizes = [1024, 256], strides = [1, 1]} : vector<1024x512xf32> to vector<1024x256xf32>
    %dot_general3A_37 = arith.constant dense<0.000000e+00> : vector<1024x256xf32>
    %dot_general3A_38 = tpu.matmul %exp3A, %slice3A_36, %dot_general3A_37 {dimension_numbers = #tpu.dot_dimension_numbers<[1], [0], [0], [1], [0, 0, 1, 1], [], []>, transpose_lhs_hint = false} : vector<1024x1024xf32>, vector<1024x256xf32>, vector<1024x256xf32> -> vector<1024x256xf32>
    %mul3A_39 = vector.broadcast %div3A_35 : vector<1024x1xf32> to vector<1024x256xf32>
    %mul3A_40 = arith.mulf %dot_general3A_38, %mul3A_39 : vector<1024x256xf32>
    %slice3A_41 = vector.extract_strided_slice %dot_general3A_28 {offsets = [0, 0], sizes = [256, 256], strides = [1, 1]} : vector<512x256xf32> to vector<256x256xf32>
    %dot_general3A_42 = arith.constant dense<0.000000e+00> : vector<1024x256xf32>
    %dot_general3A_43 = tpu.matmul %mul3A_40, %slice3A_41, %dot_general3A_42 {dimension_numbers = #tpu.dot_dimension_numbers<[1], [0], [0], [1], [0, 0, 1, 1], [], []>, transpose_lhs_hint = false} : vector<1024x256xf32>, vector<256x256xf32>, vector<1024x256xf32> -> vector<1024x256xf32>
    %slice3A_44 = vector.extract_strided_slice %mul3A_10 {offsets = [0, 256], sizes = [1024, 256], strides = [1, 1]} : vector<1024x512xf32> to vector<1024x256xf32>
    %slice3A_45 = vector.extract_strided_slice %dot_general3A_15 {offsets = [0, 256], sizes = [1024, 256], strides = [1, 1]} : vector<1024x512xf32> to vector<1024x256xf32>
    %dot_general3A_46 = arith.constant dense<0.000000e+00> : vector<1024x1024xf32>
    %dot_general3A_47 = tpu.matmul %slice3A_44, %slice3A_45, %dot_general3A_46 {dimension_numbers = #tpu.dot_dimension_numbers<[1], [1], [0], [0], [0, 0, 1, 0], [], []>, transpose_lhs_hint = false} : vector<1024x256xf32>, vector<1024x256xf32>, vector<1024x1024xf32> -> vector<1024x1024xf32>
    %exp3A_48 = math.exp %dot_general3A_47 : vector<1024x1024xf32>
    %reduce_sum3A_49 = arith.constant dense<0.000000e+00> : vector<1024xf32>
    %reduce_sum3A_50 = vector.multi_reduction <add>, %exp3A_48, %reduce_sum3A_49 [1] : vector<1024x1024xf32> to vector<1024xf32>
    %broadcast_in_dim3A_51 = vector.shape_cast %reduce_sum3A_50 : vector<1024xf32> to vector<1024x1xf32>
    %div3A_52 = arith.constant 1.000000e+00 : f32
    %div3A_53 = vector.broadcast %div3A_52 : f32 to vector<1024x1xf32>
    %div3A_54 = arith.divf %div3A_53, %broadcast_in_dim3A_51 : vector<1024x1xf32>
    %slice3A_55 = vector.extract_strided_slice %dot_general3A_20 {offsets = [0, 256], sizes = [1024, 256], strides = [1, 1]} : vector<1024x512xf32> to vector<1024x256xf32>
    %dot_general3A_56 = arith.constant dense<0.000000e+00> : vector<1024x256xf32>
    %dot_general3A_57 = tpu.matmul %exp3A_48, %slice3A_55, %dot_general3A_56 {dimension_numbers = #tpu.dot_dimension_numbers<[1], [0], [0], [1], [0, 0, 1, 1], [], []>, transpose_lhs_hint = false} : vector<1024x1024xf32>, vector<1024x256xf32>, vector<1024x256xf32> -> vector<1024x256xf32>
    %mul3A_58 = vector.broadcast %div3A_54 : vector<1024x1xf32> to vector<1024x256xf32>
    %mul3A_59 = arith.mulf %dot_general3A_57, %mul3A_58 : vector<1024x256xf32>
    %slice3A_60 = vector.extract_strided_slice %dot_general3A_28 {offsets = [256, 0], sizes = [256, 256], strides = [1, 1]} : vector<512x256xf32> to vector<256x256xf32>
    %dot_general3A_61 = arith.constant dense<0.000000e+00> : vector<1024x256xf32>
    %dot_general3A_62 = tpu.matmul %mul3A_59, %slice3A_60, %dot_general3A_61 {dimension_numbers = #tpu.dot_dimension_numbers<[1], [0], [0], [1], [0, 0, 1, 1], [], []>, transpose_lhs_hint = false} : vector<1024x256xf32>, vector<256x256xf32>, vector<1024x256xf32> -> vector<1024x256xf32>
    %add3A = arith.addf %dot_general3A_43, %dot_general3A_62 : vector<1024x256xf32>
    %get3A_63 = arith.constant 0 : index
    %get3A_64 = arith.constant 0 : index
    %get3A_65 = vector.load %arg6[%get3A_63, %get3A_64] : memref<1x512xf32, #tpu.memory_space<vmem>>, vector<1x512xf32>
    %get3A_66 = arith.constant 0 : index
    %get3A_67 = arith.constant 0 : index
    %get3A_68 = vector.load %arg7[%get3A_66, %get3A_67] : memref<512x256xf32, #tpu.memory_space<vmem>>, vector<512x256xf32>
    %dot_general3A_69 = arith.constant dense<0.000000e+00> : vector<1x256xf32>
    %dot_general3A_70 = tpu.matmul %get3A_65, %get3A_68, %dot_general3A_69 {dimension_numbers = #tpu.dot_dimension_numbers<[1], [0], [0], [1], [0, 0, 1, 1], [], []>, transpose_lhs_hint = false} : vector<1x512xf32>, vector<512x256xf32>, vector<1x256xf32> -> vector<1x256xf32>
    %get3A_71 = arith.constant 0 : index
    %get3A_72 = arith.constant 0 : index
    %get3A_73 = vector.load %arg8[%get3A_71, %get3A_72] : memref<1x256xf32, #tpu.memory_space<vmem>>, vector<1x256xf32>
    %add3A_74 = arith.addf %dot_general3A_70, %get3A_73 : vector<1x256xf32>
    %add3A_75 = vector.broadcast %add3A_74 : vector<1x256xf32> to vector<1024x256xf32>
    %add3A_76 = arith.addf %add3A, %add3A_75 : vector<1024x256xf32>
    %swap3A = arith.constant 0 : index
    %swap3A_77 = arith.constant 0 : index
    %swap3A_78 = arith.constant 0 : index
    %swap3A_79 = vector.load %arg9[%swap3A, %swap3A_77, %swap3A_78] : memref<1x1024x256xf32, #tpu.memory_space<vmem>>, vector<1x1024x256xf32>
    %swap3A_80 = vector.shape_cast %swap3A_79 : vector<1x1024x256xf32> to vector<1024x256xf32>
    %swap3A_81 = vector.shape_cast %add3A_76 : vector<1024x256xf32> to vector<1x1024x256xf32>
    tpu.vector_store %arg9[%swap3A, %swap3A_77, %swap3A_78], %swap3A_81 {strides = array<i32>} : memref<1x1024x256xf32, #tpu.memory_space<vmem>>, vector<1x1024x256xf32>,
    return
  }
  func.func @transform_0(%arg0: i32) -> (i32, i32, i32) {
    %c0_i32 = arith.constant 0 : i32
    %c0_i32_0 = arith.constant 0 : i32
    %c0_i32_1 = arith.constant 0 : i32
    return %arg0, %c0_i32, %c0_i32_0 : i32, i32, i32
  }
  func.func @transform_1(%arg0: i32) -> (i32, i32) {
    %c0_i32 = arith.constant 0 : i32
    %c0_i32_0 = arith.constant 0 : i32
    %c0_i32_1 = arith.constant 0 : i32
    return %c0_i32, %c0_i32_0 : i32, i32
  }
  func.func @transform_2(%arg0: i32) -> (i32, i32) {
    %c0_i32 = arith.constant 0 : i32
    %c0_i32_0 = arith.constant 0 : i32
    %c0_i32_1 = arith.constant 0 : i32
    return %c0_i32, %c0_i32_0 : i32, i32
  }
  func.func @transform_3(%arg0: i32) -> (i32, i32) {
    %c0_i32 = arith.constant 0 : i32
    %c0_i32_0 = arith.constant 0 : i32
    %c0_i32_1 = arith.constant 0 : i32
    return %c0_i32, %c0_i32_0 : i32, i32
  }
  func.func @transform_4(%arg0: i32) -> (i32, i32) {
    %c0_i32 = arith.constant 0 : i32
    %c0_i32_0 = arith.constant 0 : i32
    %c0_i32_1 = arith.constant 0 : i32
    return %c0_i32, %c0_i32_0 : i32, i32
  }
  func.func @transform_5(%arg0: i32) -> (i32, i32) {
    %c0_i32 = arith.constant 0 : i32
    %c0_i32_0 = arith.constant 0 : i32
    %c0_i32_1 = arith.constant 0 : i32
    return %c0_i32, %c0_i32_0 : i32, i32
  }
  func.func @transform_6(%arg0: i32) -> (i32, i32) {
    %c0_i32 = arith.constant 0 : i32
    %c0_i32_0 = arith.constant 0 : i32
    %c0_i32_1 = arith.constant 0 : i32
    return %c0_i32, %c0_i32_0 : i32, i32
  }
  func.func @transform_7(%arg0: i32) -> (i32, i32) {
    %c0_i32 = arith.constant 0 : i32
    %c0_i32_0 = arith.constant 0 : i32
    %c0_i32_1 = arith.constant 0 : i32
    return %c0_i32, %c0_i32_0 : i32, i32
  }
  func.func @transform_8(%arg0: i32) -> (i32, i32, i32) {
    %c0_i32 = arith.constant 0 : i32
    %c0_i32_0 = arith.constant 0 : i32
    %c0_i32_1 = arith.constant 0 : i32
    return %arg0, %c0_i32, %c0_i32_0 : i32, i32, i32
  }
}

module attributes {stable_mosaic.version = 14 : i64} {
  func.func @_head_body(%arg0: memref<8x1280xf32, #tpu.memory_space<vmem>>, %arg1: memref<1280x1024xf32, #tpu.memory_space<vmem>>, %arg2: memref<1x1024xf32, #tpu.memory_space<vmem>>, %arg3: memref<1x1024xf32, #tpu.memory_space<vmem>>, %arg4: memref<1x1024xf32, #tpu.memory_space<vmem>>, %arg5: memref<1024x1024xf32, #tpu.memory_space<vmem>>, %arg6: memref<1x1024xf32, #tpu.memory_space<vmem>>, %arg7: memref<1x1024xf32, #tpu.memory_space<vmem>>, %arg8: memref<1x1024xf32, #tpu.memory_space<vmem>>, %arg9: memref<1024x1024xf32, #tpu.memory_space<vmem>>, %arg10: memref<1x1024xf32, #tpu.memory_space<vmem>>, %arg11: memref<1024x1032xf32, #tpu.memory_space<vmem>>, %arg12: memref<1x1032xf32, #tpu.memory_space<vmem>>, %arg13: memref<1032x512xf32, #tpu.memory_space<vmem>>, %arg14: memref<1x512xf32, #tpu.memory_space<vmem>>, %arg15: memref<512x256xf32, #tpu.memory_space<vmem>>, %arg16: memref<1x256xf32, #tpu.memory_space<vmem>>, %arg17: memref<256x24xf32, #tpu.memory_space<vmem>>, %arg18: memref<1x24xf32, #tpu.memory_space<vmem>>, %arg19: memref<8x24xf32, #tpu.memory_space<vmem>>) attributes {dimension_semantics = [], scalar_prefetch = 0 : i64, scratch_operands = 0 : i64, tpu.core_type = #tpu.core_type<tc>} {
    %get3A = arith.constant 0 : index
    %get3A_0 = arith.constant 0 : index
    %get3A_1 = vector.load %arg0[%get3A, %get3A_0] : memref<8x1280xf32, #tpu.memory_space<vmem>>, vector<8x1280xf32>
    %get3A_2 = arith.constant 0 : index
    %get3A_3 = arith.constant 0 : index
    %get3A_4 = vector.load %arg1[%get3A_2, %get3A_3] : memref<1280x1024xf32, #tpu.memory_space<vmem>>, vector<1280x1024xf32>
    %dot_general3A = arith.constant dense<0.000000e+00> : vector<8x1024xf32>
    %dot_general3A_5 = tpu.matmul %get3A_1, %get3A_4, %dot_general3A {dimension_numbers = #tpu.dot_dimension_numbers<[1], [0], [0], [1], [0, 0, 1, 1], [], []>, transpose_lhs_hint = false} : vector<8x1280xf32>, vector<1280x1024xf32>, vector<8x1024xf32> -> vector<8x1024xf32>
    %get3A_6 = arith.constant 0 : index
    %get3A_7 = arith.constant 0 : index
    %get3A_8 = vector.load %arg2[%get3A_6, %get3A_7] : memref<1x1024xf32, #tpu.memory_space<vmem>>, vector<1x1024xf32>
    %add3A = vector.broadcast %get3A_8 : vector<1x1024xf32> to vector<8x1024xf32>
    %add3A_9 = arith.addf %dot_general3A_5, %add3A : vector<8x1024xf32>
    %max3A = arith.constant 0.000000e+00 : f32
    %max3A_10 = vector.broadcast %max3A : f32 to vector<8x1024xf32>
    %max3A_11 = arith.maximumf %add3A_9, %max3A_10 : vector<8x1024xf32>
    %get3A_12 = arith.constant 0 : index
    %get3A_13 = arith.constant 0 : index
    %get3A_14 = vector.load %arg3[%get3A_12, %get3A_13] : memref<1x1024xf32, #tpu.memory_space<vmem>>, vector<1x1024xf32>
    %get3A_15 = arith.constant 0 : index
    %get3A_16 = arith.constant 0 : index
    %get3A_17 = vector.load %arg4[%get3A_15, %get3A_16] : memref<1x1024xf32, #tpu.memory_space<vmem>>, vector<1x1024xf32>
    %reduce_sum3A = arith.constant dense<0.000000e+00> : vector<8xf32>
    %reduce_sum3A_18 = vector.multi_reduction <add>, %max3A_11, %reduce_sum3A [1] : vector<8x1024xf32> to vector<8xf32>
    %broadcast_in_dim3A = vector.shape_cast %reduce_sum3A_18 : vector<8xf32> to vector<8x1xf32>
    %div3A = arith.constant 1.024000e+03 : f32
    %div3A_19 = vector.broadcast %div3A : f32 to vector<8x1xf32>
    %div3A_20 = arith.divf %broadcast_in_dim3A, %div3A_19 : vector<8x1xf32>
    %sub3A = vector.broadcast %div3A_20 : vector<8x1xf32> to vector<8x1024xf32>
    %sub3A_21 = arith.subf %max3A_11, %sub3A : vector<8x1024xf32>
    %integer_pow3A = arith.mulf %sub3A_21, %sub3A_21 : vector<8x1024xf32>
    %reduce_sum3A_22 = arith.constant dense<0.000000e+00> : vector<8xf32>
    %reduce_sum3A_23 = vector.multi_reduction <add>, %integer_pow3A, %reduce_sum3A_22 [1] : vector<8x1024xf32> to vector<8xf32>
    %broadcast_in_dim3A_24 = vector.shape_cast %reduce_sum3A_23 : vector<8xf32> to vector<8x1xf32>
    %div3A_25 = arith.constant 1.024000e+03 : f32
    %div3A_26 = vector.broadcast %div3A_25 : f32 to vector<8x1xf32>
    %div3A_27 = arith.divf %broadcast_in_dim3A_24, %div3A_26 : vector<8x1xf32>
    %sub3A_28 = vector.broadcast %div3A_20 : vector<8x1xf32> to vector<8x1024xf32>
    %sub3A_29 = arith.subf %max3A_11, %sub3A_28 : vector<8x1024xf32>
    %mul3A = vector.broadcast %get3A_14 : vector<1x1024xf32> to vector<8x1024xf32>
    %mul3A_30 = arith.mulf %mul3A, %sub3A_29 : vector<8x1024xf32>
    %add3A_31 = arith.constant 9.99999974E-6 : f32
    %add3A_32 = vector.broadcast %add3A_31 : f32 to vector<8x1xf32>
    %add3A_33 = arith.addf %div3A_27, %add3A_32 : vector<8x1xf32>
    %sqrt3A = math.sqrt %add3A_33 : vector<8x1xf32>
    %div3A_34 = vector.broadcast %sqrt3A : vector<8x1xf32> to vector<8x1024xf32>
    %div3A_35 = arith.divf %mul3A_30, %div3A_34 : vector<8x1024xf32>
    %add3A_36 = vector.broadcast %get3A_17 : vector<1x1024xf32> to vector<8x1024xf32>
    %add3A_37 = arith.addf %div3A_35, %add3A_36 : vector<8x1024xf32>
    %get3A_38 = arith.constant 0 : index
    %get3A_39 = arith.constant 0 : index
    %get3A_40 = vector.load %arg5[%get3A_38, %get3A_39] : memref<1024x1024xf32, #tpu.memory_space<vmem>>, vector<1024x1024xf32>
    %dot_general3A_41 = arith.constant dense<0.000000e+00> : vector<8x1024xf32>
    %dot_general3A_42 = tpu.matmul %add3A_37, %get3A_40, %dot_general3A_41 {dimension_numbers = #tpu.dot_dimension_numbers<[1], [0], [0], [1], [0, 0, 1, 1], [], []>, transpose_lhs_hint = false} : vector<8x1024xf32>, vector<1024x1024xf32>, vector<8x1024xf32> -> vector<8x1024xf32>
    %get3A_43 = arith.constant 0 : index
    %get3A_44 = arith.constant 0 : index
    %get3A_45 = vector.load %arg6[%get3A_43, %get3A_44] : memref<1x1024xf32, #tpu.memory_space<vmem>>, vector<1x1024xf32>
    %add3A_46 = vector.broadcast %get3A_45 : vector<1x1024xf32> to vector<8x1024xf32>
    %add3A_47 = arith.addf %dot_general3A_42, %add3A_46 : vector<8x1024xf32>
    %max3A_48 = arith.constant 0.000000e+00 : f32
    %max3A_49 = vector.broadcast %max3A_48 : f32 to vector<8x1024xf32>
    %max3A_50 = arith.maximumf %add3A_47, %max3A_49 : vector<8x1024xf32>
    %get3A_51 = arith.constant 0 : index
    %get3A_52 = arith.constant 0 : index
    %get3A_53 = vector.load %arg7[%get3A_51, %get3A_52] : memref<1x1024xf32, #tpu.memory_space<vmem>>, vector<1x1024xf32>
    %get3A_54 = arith.constant 0 : index
    %get3A_55 = arith.constant 0 : index
    %get3A_56 = vector.load %arg8[%get3A_54, %get3A_55] : memref<1x1024xf32, #tpu.memory_space<vmem>>, vector<1x1024xf32>
    %reduce_sum3A_57 = arith.constant dense<0.000000e+00> : vector<8xf32>
    %reduce_sum3A_58 = vector.multi_reduction <add>, %max3A_50, %reduce_sum3A_57 [1] : vector<8x1024xf32> to vector<8xf32>
    %broadcast_in_dim3A_59 = vector.shape_cast %reduce_sum3A_58 : vector<8xf32> to vector<8x1xf32>
    %div3A_60 = arith.constant 1.024000e+03 : f32
    %div3A_61 = vector.broadcast %div3A_60 : f32 to vector<8x1xf32>
    %div3A_62 = arith.divf %broadcast_in_dim3A_59, %div3A_61 : vector<8x1xf32>
    %sub3A_63 = vector.broadcast %div3A_62 : vector<8x1xf32> to vector<8x1024xf32>
    %sub3A_64 = arith.subf %max3A_50, %sub3A_63 : vector<8x1024xf32>
    %integer_pow3A_65 = arith.mulf %sub3A_64, %sub3A_64 : vector<8x1024xf32>
    %reduce_sum3A_66 = arith.constant dense<0.000000e+00> : vector<8xf32>
    %reduce_sum3A_67 = vector.multi_reduction <add>, %integer_pow3A_65, %reduce_sum3A_66 [1] : vector<8x1024xf32> to vector<8xf32>
    %broadcast_in_dim3A_68 = vector.shape_cast %reduce_sum3A_67 : vector<8xf32> to vector<8x1xf32>
    %div3A_69 = arith.constant 1.024000e+03 : f32
    %div3A_70 = vector.broadcast %div3A_69 : f32 to vector<8x1xf32>
    %div3A_71 = arith.divf %broadcast_in_dim3A_68, %div3A_70 : vector<8x1xf32>
    %sub3A_72 = vector.broadcast %div3A_62 : vector<8x1xf32> to vector<8x1024xf32>
    %sub3A_73 = arith.subf %max3A_50, %sub3A_72 : vector<8x1024xf32>
    %mul3A_74 = vector.broadcast %get3A_53 : vector<1x1024xf32> to vector<8x1024xf32>
    %mul3A_75 = arith.mulf %mul3A_74, %sub3A_73 : vector<8x1024xf32>
    %add3A_76 = arith.constant 9.99999974E-6 : f32
    %add3A_77 = vector.broadcast %add3A_76 : f32 to vector<8x1xf32>
    %add3A_78 = arith.addf %div3A_71, %add3A_77 : vector<8x1xf32>
    %sqrt3A_79 = math.sqrt %add3A_78 : vector<8x1xf32>
    %div3A_80 = vector.broadcast %sqrt3A_79 : vector<8x1xf32> to vector<8x1024xf32>
    %div3A_81 = arith.divf %mul3A_75, %div3A_80 : vector<8x1024xf32>
    %add3A_82 = vector.broadcast %get3A_56 : vector<1x1024xf32> to vector<8x1024xf32>
    %add3A_83 = arith.addf %div3A_81, %add3A_82 : vector<8x1024xf32>
    %get3A_84 = arith.constant 0 : index
    %get3A_85 = arith.constant 0 : index
    %get3A_86 = vector.load %arg9[%get3A_84, %get3A_85] : memref<1024x1024xf32, #tpu.memory_space<vmem>>, vector<1024x1024xf32>
    %dot_general3A_87 = arith.constant dense<0.000000e+00> : vector<8x1024xf32>
    %dot_general3A_88 = tpu.matmul %add3A_83, %get3A_86, %dot_general3A_87 {dimension_numbers = #tpu.dot_dimension_numbers<[1], [0], [0], [1], [0, 0, 1, 1], [], []>, transpose_lhs_hint = false} : vector<8x1024xf32>, vector<1024x1024xf32>, vector<8x1024xf32> -> vector<8x1024xf32>
    %get3A_89 = arith.constant 0 : index
    %get3A_90 = arith.constant 0 : index
    %get3A_91 = vector.load %arg10[%get3A_89, %get3A_90] : memref<1x1024xf32, #tpu.memory_space<vmem>>, vector<1x1024xf32>
    %add3A_92 = vector.broadcast %get3A_91 : vector<1x1024xf32> to vector<8x1024xf32>
    %add3A_93 = arith.addf %dot_general3A_88, %add3A_92 : vector<8x1024xf32>
    %get3A_94 = arith.constant 0 : index
    %get3A_95 = arith.constant 0 : index
    %get3A_96 = vector.load %arg11[%get3A_94, %get3A_95] : memref<1024x1032xf32, #tpu.memory_space<vmem>>, vector<1024x1032xf32>
    %dot_general3A_97 = arith.constant dense<0.000000e+00> : vector<8x1032xf32>
    %dot_general3A_98 = tpu.matmul %add3A_93, %get3A_96, %dot_general3A_97 {dimension_numbers = #tpu.dot_dimension_numbers<[1], [0], [0], [1], [0, 0, 1, 1], [], []>, transpose_lhs_hint = false} : vector<8x1024xf32>, vector<1024x1032xf32>, vector<8x1032xf32> -> vector<8x1032xf32>
    %get3A_99 = arith.constant 0 : index
    %get3A_100 = arith.constant 0 : index
    %get3A_101 = vector.load %arg12[%get3A_99, %get3A_100] : memref<1x1032xf32, #tpu.memory_space<vmem>>, vector<1x1032xf32>
    %add3A_102 = vector.broadcast %get3A_101 : vector<1x1032xf32> to vector<8x1032xf32>
    %add3A_103 = arith.addf %dot_general3A_98, %add3A_102 : vector<8x1032xf32>
    %max3A_104 = arith.constant 0.000000e+00 : f32
    %max3A_105 = vector.broadcast %max3A_104 : f32 to vector<8x1032xf32>
    %max3A_106 = arith.maximumf %add3A_103, %max3A_105 : vector<8x1032xf32>
    %get3A_107 = arith.constant 0 : index
    %get3A_108 = arith.constant 0 : index
    %get3A_109 = vector.load %arg13[%get3A_107, %get3A_108] : memref<1032x512xf32, #tpu.memory_space<vmem>>, vector<1032x512xf32>
    %dot_general3A_110 = arith.constant dense<0.000000e+00> : vector<8x512xf32>
    %dot_general3A_111 = tpu.matmul %max3A_106, %get3A_109, %dot_general3A_110 {dimension_numbers = #tpu.dot_dimension_numbers<[1], [0], [0], [1], [0, 0, 1, 1], [], []>, transpose_lhs_hint = false} : vector<8x1032xf32>, vector<1032x512xf32>, vector<8x512xf32> -> vector<8x512xf32>
    %get3A_112 = arith.constant 0 : index
    %get3A_113 = arith.constant 0 : index
    %get3A_114 = vector.load %arg14[%get3A_112, %get3A_113] : memref<1x512xf32, #tpu.memory_space<vmem>>, vector<1x512xf32>
    %add3A_115 = vector.broadcast %get3A_114 : vector<1x512xf32> to vector<8x512xf32>
    %add3A_116 = arith.addf %dot_general3A_111, %add3A_115 : vector<8x512xf32>
    %max3A_117 = arith.constant 0.000000e+00 : f32
    %max3A_118 = vector.broadcast %max3A_117 : f32 to vector<8x512xf32>
    %max3A_119 = arith.maximumf %add3A_116, %max3A_118 : vector<8x512xf32>
    %get3A_120 = arith.constant 0 : index
    %get3A_121 = arith.constant 0 : index
    %get3A_122 = vector.load %arg15[%get3A_120, %get3A_121] : memref<512x256xf32, #tpu.memory_space<vmem>>, vector<512x256xf32>
    %dot_general3A_123 = arith.constant dense<0.000000e+00> : vector<8x256xf32>
    %dot_general3A_124 = tpu.matmul %max3A_119, %get3A_122, %dot_general3A_123 {dimension_numbers = #tpu.dot_dimension_numbers<[1], [0], [0], [1], [0, 0, 1, 1], [], []>, transpose_lhs_hint = false} : vector<8x512xf32>, vector<512x256xf32>, vector<8x256xf32> -> vector<8x256xf32>
    %get3A_125 = arith.constant 0 : index
    %get3A_126 = arith.constant 0 : index
    %get3A_127 = vector.load %arg16[%get3A_125, %get3A_126] : memref<1x256xf32, #tpu.memory_space<vmem>>, vector<1x256xf32>
    %add3A_128 = vector.broadcast %get3A_127 : vector<1x256xf32> to vector<8x256xf32>
    %add3A_129 = arith.addf %dot_general3A_124, %add3A_128 : vector<8x256xf32>
    %max3A_130 = arith.constant 0.000000e+00 : f32
    %max3A_131 = vector.broadcast %max3A_130 : f32 to vector<8x256xf32>
    %max3A_132 = arith.maximumf %add3A_129, %max3A_131 : vector<8x256xf32>
    %get3A_133 = arith.constant 0 : index
    %get3A_134 = arith.constant 0 : index
    %get3A_135 = vector.load %arg17[%get3A_133, %get3A_134] : memref<256x24xf32, #tpu.memory_space<vmem>>, vector<256x24xf32>
    %dot_general3A_136 = arith.constant dense<0.000000e+00> : vector<8x24xf32>
    %dot_general3A_137 = tpu.matmul %max3A_132, %get3A_135, %dot_general3A_136 {dimension_numbers = #tpu.dot_dimension_numbers<[1], [0], [0], [1], [0, 0, 1, 1], [], []>, transpose_lhs_hint = false} : vector<8x256xf32>, vector<256x24xf32>, vector<8x24xf32> -> vector<8x24xf32>
    %get3A_138 = arith.constant 0 : index
    %get3A_139 = arith.constant 0 : index
    %get3A_140 = vector.load %arg18[%get3A_138, %get3A_139] : memref<1x24xf32, #tpu.memory_space<vmem>>, vector<1x24xf32>
    %add3A_141 = vector.broadcast %get3A_140 : vector<1x24xf32> to vector<8x24xf32>
    %add3A_142 = arith.addf %dot_general3A_137, %add3A_141 : vector<8x24xf32>
    %swap3A = arith.constant 0 : index
    %swap3A_143 = arith.constant 0 : index
    %swap3A_144 = vector.load %arg19[%swap3A, %swap3A_143] : memref<8x24xf32, #tpu.memory_space<vmem>>, vector<8x24xf32>
    tpu.vector_store %arg19[%swap3A, %swap3A_143], %add3A_142 {strides = array<i32>} : memref<8x24xf32, #tpu.memory_space<vmem>>, vector<8x24xf32>,
    return
  }
}

module attributes {stable_mosaic.version = 14 : i64} {
  func.func @_rest_body(%arg0: i32, %arg1: memref<1x1024x256xf32, #tpu.memory_space<vmem>>, %arg2: memref<1024x128xf32, #tpu.memory_space<vmem>>, %arg3: memref<1024x128xf32, #tpu.memory_space<vmem>>, %arg4: memref<1x1x1024xf32, #tpu.memory_space<vmem>>, %arg5: memref<4x1024xf32, #tpu.memory_space<vmem>>, %arg6: memref<128x128xf32, #tpu.memory_space<vmem>>, %arg7: memref<1x128xf32, #tpu.memory_space<vmem>>, %arg8: memref<128x128xf32, #tpu.memory_space<vmem>>, %arg9: memref<1x128xf32, #tpu.memory_space<vmem>>, %arg10: memref<128x128xf32, #tpu.memory_space<vmem>>, %arg11: memref<1x128xf32, #tpu.memory_space<vmem>>, %arg12: memref<128x128xf32, #tpu.memory_space<vmem>>, %arg13: memref<1x128xf32, #tpu.memory_space<vmem>>, %arg14: memref<256x768xf32, #tpu.memory_space<vmem>>, %arg15: memref<1x768xf32, #tpu.memory_space<vmem>>, %arg16: memref<256x256xf32, #tpu.memory_space<vmem>>, %arg17: memref<1x256xf32, #tpu.memory_space<vmem>>, %arg18: memref<1x256xf32, #tpu.memory_space<vmem>>, %arg19: memref<1x256xf32, #tpu.memory_space<vmem>>, %arg20: memref<256x1024xf32, #tpu.memory_space<vmem>>, %arg21: memref<1x1024xf32, #tpu.memory_space<vmem>>, %arg22: memref<1024x256xf32, #tpu.memory_space<vmem>>, %arg23: memref<1x256xf32, #tpu.memory_space<vmem>>, %arg24: memref<1x256xf32, #tpu.memory_space<vmem>>, %arg25: memref<1x256xf32, #tpu.memory_space<vmem>>, %arg26: memref<256x768xf32, #tpu.memory_space<vmem>>, %arg27: memref<1x768xf32, #tpu.memory_space<vmem>>, %arg28: memref<256x256xf32, #tpu.memory_space<vmem>>, %arg29: memref<1x256xf32, #tpu.memory_space<vmem>>, %arg30: memref<1x256xf32, #tpu.memory_space<vmem>>, %arg31: memref<1x256xf32, #tpu.memory_space<vmem>>, %arg32: memref<256x1024xf32, #tpu.memory_space<vmem>>, %arg33: memref<1x1024xf32, #tpu.memory_space<vmem>>, %arg34: memref<1024x256xf32, #tpu.memory_space<vmem>>, %arg35: memref<1x256xf32, #tpu.memory_space<vmem>>, %arg36: memref<1x256xf32, #tpu.memory_space<vmem>>, %arg37: memref<1x256xf32, #tpu.memory_space<vmem>>, %arg38: memref<4x256xf32, #tpu.memory_space<vmem>>, %arg39: memref<256x256xf32, #tpu.memory_space<vmem>>, %arg40: memref<1x256xf32, #tpu.memory_space<vmem>>, %arg41: memref<256x256xf32, #tpu.memory_space<vmem>>, %arg42: memref<1x256xf32, #tpu.memory_space<vmem>>, %arg43: memref<256x256xf32, #tpu.memory_space<vmem>>, %arg44: memref<1x256xf32, #tpu.memory_space<vmem>>, %arg45: memref<256x256xf32, #tpu.memory_space<vmem>>, %arg46: memref<1x256xf32, #tpu.memory_space<vmem>>, %arg47: memref<1x256xf32, #tpu.memory_space<vmem>>, %arg48: memref<1x256xf32, #tpu.memory_space<vmem>>, %arg49: memref<1x5x256xf32, #tpu.memory_space<vmem>>) attributes {dimension_semantics = [#tpu.dimension_semantics<arbitrary>], iteration_bounds = array<i64: 8>, scalar_prefetch = 0 : i64, scratch_operands = 0 : i64, tpu.core_type = #tpu.core_type<tc>, window_params = [{transform_indices = @transform_0, window_bounds = array<i64: 1, 1024, 256>}, {transform_indices = @transform_1, window_bounds = array<i64: 1024, 128>}, {transform_indices = @transform_2, window_bounds = array<i64: 1024, 128>}, {transform_indices = @transform_3, window_bounds = array<i64: 1, 1, 1024>}, {pipeline_mode = #tpu.pipeline_mode<synchronous>, transform_indices = @transform_4, window_bounds = array<i64: 4, 1024>}, {pipeline_mode = #tpu.pipeline_mode<synchronous>, transform_indices = @transform_5, window_bounds = array<i64: 128, 128>}, {pipeline_mode = #tpu.pipeline_mode<synchronous>, transform_indices = @transform_6, window_bounds = array<i64: 1, 128>}, {pipeline_mode = #tpu.pipeline_mode<synchronous>, transform_indices = @transform_7, window_bounds = array<i64: 128, 128>}, {pipeline_mode = #tpu.pipeline_mode<synchronous>, transform_indices = @transform_8, window_bounds = array<i64: 1, 128>}, {pipeline_mode = #tpu.pipeline_mode<synchronous>, transform_indices = @transform_9, window_bounds = array<i64: 128, 128>}, {pipeline_mode = #tpu.pipeline_mode<synchronous>, transform_indices = @transform_10, window_bounds = array<i64: 1, 128>}, {pipeline_mode = #tpu.pipeline_mode<synchronous>, transform_indices = @transform_11, window_bounds = array<i64: 128, 128>}, {pipeline_mode = #tpu.pipeline_mode<synchronous>, transform_indices = @transform_12, window_bounds = array<i64: 1, 128>}, {pipeline_mode = #tpu.pipeline_mode<synchronous>, transform_indices = @transform_13, window_bounds = array<i64: 256, 768>}, {pipeline_mode = #tpu.pipeline_mode<synchronous>, transform_indices = @transform_14, window_bounds = array<i64: 1, 768>}, {pipeline_mode = #tpu.pipeline_mode<synchronous>, transform_indices = @transform_15, window_bounds = array<i64: 256, 256>}, {pipeline_mode = #tpu.pipeline_mode<synchronous>, transform_indices = @transform_16, window_bounds = array<i64: 1, 256>}, {pipeline_mode = #tpu.pipeline_mode<synchronous>, transform_indices = @transform_17, window_bounds = array<i64: 1, 256>}, {pipeline_mode = #tpu.pipeline_mode<synchronous>, transform_indices = @transform_18, window_bounds = array<i64: 1, 256>}, {pipeline_mode = #tpu.pipeline_mode<synchronous>, transform_indices = @transform_19, window_bounds = array<i64: 256, 1024>}, {pipeline_mode = #tpu.pipeline_mode<synchronous>, transform_indices = @transform_20, window_bounds = array<i64: 1, 1024>}, {pipeline_mode = #tpu.pipeline_mode<synchronous>, transform_indices = @transform_21, window_bounds = array<i64: 1024, 256>}, {pipeline_mode = #tpu.pipeline_mode<synchronous>, transform_indices = @transform_22, window_bounds = array<i64: 1, 256>}, {pipeline_mode = #tpu.pipeline_mode<synchronous>, transform_indices = @transform_23, window_bounds = array<i64: 1, 256>}, {pipeline_mode = #tpu.pipeline_mode<synchronous>, transform_indices = @transform_24, window_bounds = array<i64: 1, 256>}, {pipeline_mode = #tpu.pipeline_mode<synchronous>, transform_indices = @transform_25, window_bounds = array<i64: 256, 768>}, {pipeline_mode = #tpu.pipeline_mode<synchronous>, transform_indices = @transform_26, window_bounds = array<i64: 1, 768>}, {pipeline_mode = #tpu.pipeline_mode<synchronous>, transform_indices = @transform_27, window_bounds = array<i64: 256, 256>}, {pipeline_mode = #tpu.pipeline_mode<synchronous>, transform_indices = @transform_28, window_bounds = array<i64: 1, 256>}, {pipeline_mode = #tpu.pipeline_mode<synchronous>, transform_indices = @transform_29, window_bounds = array<i64: 1, 256>}, {pipeline_mode = #tpu.pipeline_mode<synchronous>, transform_indices = @transform_30, window_bounds = array<i64: 1, 256>}, {pipeline_mode = #tpu.pipeline_mode<synchronous>, transform_indices = @transform_31, window_bounds = array<i64: 256, 1024>}, {pipeline_mode = #tpu.pipeline_mode<synchronous>, transform_indices = @transform_32, window_bounds = array<i64: 1, 1024>}, {pipeline_mode = #tpu.pipeline_mode<synchronous>, transform_indices = @transform_33, window_bounds = array<i64: 1024, 256>}, {pipeline_mode = #tpu.pipeline_mode<synchronous>, transform_indices = @transform_34, window_bounds = array<i64: 1, 256>}, {pipeline_mode = #tpu.pipeline_mode<synchronous>, transform_indices = @transform_35, window_bounds = array<i64: 1, 256>}, {pipeline_mode = #tpu.pipeline_mode<synchronous>, transform_indices = @transform_36, window_bounds = array<i64: 1, 256>}, {pipeline_mode = #tpu.pipeline_mode<synchronous>, transform_indices = @transform_37, window_bounds = array<i64: 4, 256>}, {pipeline_mode = #tpu.pipeline_mode<synchronous>, transform_indices = @transform_38, window_bounds = array<i64: 256, 256>}, {pipeline_mode = #tpu.pipeline_mode<synchronous>, transform_indices = @transform_39, window_bounds = array<i64: 1, 256>}, {pipeline_mode = #tpu.pipeline_mode<synchronous>, transform_indices = @transform_40, window_bounds = array<i64: 256, 256>}, {pipeline_mode = #tpu.pipeline_mode<synchronous>, transform_indices = @transform_41, window_bounds = array<i64: 1, 256>}, {pipeline_mode = #tpu.pipeline_mode<synchronous>, transform_indices = @transform_42, window_bounds = array<i64: 256, 256>}, {pipeline_mode = #tpu.pipeline_mode<synchronous>, transform_indices = @transform_43, window_bounds = array<i64: 1, 256>}, {pipeline_mode = #tpu.pipeline_mode<synchronous>, transform_indices = @transform_44, window_bounds = array<i64: 256, 256>}, {pipeline_mode = #tpu.pipeline_mode<synchronous>, transform_indices = @transform_45, window_bounds = array<i64: 1, 256>}, {pipeline_mode = #tpu.pipeline_mode<synchronous>, transform_indices = @transform_46, window_bounds = array<i64: 1, 256>}, {pipeline_mode = #tpu.pipeline_mode<synchronous>, transform_indices = @transform_47, window_bounds = array<i64: 1, 256>}, {transform_indices = @transform_48, window_bounds = array<i64: 1, 5, 256>}]} {
    %get3A = arith.constant 0 : index
    %get3A_0 = arith.constant 0 : index
    %get3A_1 = arith.constant 0 : index
    %get3A_2 = vector.load %arg1[%get3A, %get3A_0, %get3A_1] : memref<1x1024x256xf32, #tpu.memory_space<vmem>>, vector<1x1024x256xf32>
    %get3A_3 = vector.shape_cast %get3A_2 : vector<1x1024x256xf32> to vector<1024x256xf32>
    %get3A_4 = arith.constant 0 : index
    %get3A_5 = arith.constant 0 : index
    %get3A_6 = vector.load %arg2[%get3A_4, %get3A_5] : memref<1024x128xf32, #tpu.memory_space<vmem>>, vector<1024x128xf32>
    %get3A_7 = arith.constant 0 : index
    %get3A_8 = arith.constant 0 : index
    %get3A_9 = vector.load %arg3[%get3A_7, %get3A_8] : memref<1024x128xf32, #tpu.memory_space<vmem>>, vector<1024x128xf32>
    %get3A_10 = arith.constant 0 : index
    %get3A_11 = arith.constant 0 : index
    %get3A_12 = vector.load %arg6[%get3A_10, %get3A_11] : memref<128x128xf32, #tpu.memory_space<vmem>>, vector<128x128xf32>
    %dot_general3A = arith.constant dense<0.000000e+00> : vector<1024x128xf32>
    %dot_general3A_13 = tpu.matmul %get3A_6, %get3A_12, %dot_general3A {dimension_numbers = #tpu.dot_dimension_numbers<[1], [0], [0], [1], [0, 0, 1, 1], [], []>, transpose_lhs_hint = false} : vector<1024x128xf32>, vector<128x128xf32>, vector<1024x128xf32> -> vector<1024x128xf32>
    %get3A_14 = arith.constant 0 : index
    %get3A_15 = arith.constant 0 : index
    %get3A_16 = vector.load %arg7[%get3A_14, %get3A_15] : memref<1x128xf32, #tpu.memory_space<vmem>>, vector<1x128xf32>
    %add3A = vector.broadcast %get3A_16 : vector<1x128xf32> to vector<1024x128xf32>
    %add3A_17 = arith.addf %dot_general3A_13, %add3A : vector<1024x128xf32>
    %max3A = arith.constant 0.000000e+00 : f32
    %max3A_18 = vector.broadcast %max3A : f32 to vector<1024x128xf32>
    %max3A_19 = arith.maximumf %add3A_17, %max3A_18 : vector<1024x128xf32>
    %get3A_20 = arith.constant 0 : index
    %get3A_21 = arith.constant 0 : index
    %get3A_22 = vector.load %arg8[%get3A_20, %get3A_21] : memref<128x128xf32, #tpu.memory_space<vmem>>, vector<128x128xf32>
    %dot_general3A_23 = arith.constant dense<0.000000e+00> : vector<1024x128xf32>
    %dot_general3A_24 = tpu.matmul %max3A_19, %get3A_22, %dot_general3A_23 {dimension_numbers = #tpu.dot_dimension_numbers<[1], [0], [0], [1], [0, 0, 1, 1], [], []>, transpose_lhs_hint = false} : vector<1024x128xf32>, vector<128x128xf32>, vector<1024x128xf32> -> vector<1024x128xf32>
    %get3A_25 = arith.constant 0 : index
    %get3A_26 = arith.constant 0 : index
    %get3A_27 = vector.load %arg9[%get3A_25, %get3A_26] : memref<1x128xf32, #tpu.memory_space<vmem>>, vector<1x128xf32>
    %add3A_28 = vector.broadcast %get3A_27 : vector<1x128xf32> to vector<1024x128xf32>
    %add3A_29 = arith.addf %dot_general3A_24, %add3A_28 : vector<1024x128xf32>
    %get3A_30 = arith.constant 0 : index
    %get3A_31 = arith.constant 0 : index
    %get3A_32 = vector.load %arg10[%get3A_30, %get3A_31] : memref<128x128xf32, #tpu.memory_space<vmem>>, vector<128x128xf32>
    %dot_general3A_33 = arith.constant dense<0.000000e+00> : vector<1024x128xf32>
    %dot_general3A_34 = tpu.matmul %get3A_9, %get3A_32, %dot_general3A_33 {dimension_numbers = #tpu.dot_dimension_numbers<[1], [0], [0], [1], [0, 0, 1, 1], [], []>, transpose_lhs_hint = false} : vector<1024x128xf32>, vector<128x128xf32>, vector<1024x128xf32> -> vector<1024x128xf32>
    %get3A_35 = arith.constant 0 : index
    %get3A_36 = arith.constant 0 : index
    %get3A_37 = vector.load %arg11[%get3A_35, %get3A_36] : memref<1x128xf32, #tpu.memory_space<vmem>>, vector<1x128xf32>
    %add3A_38 = vector.broadcast %get3A_37 : vector<1x128xf32> to vector<1024x128xf32>
    %add3A_39 = arith.addf %dot_general3A_34, %add3A_38 : vector<1024x128xf32>
    %max3A_40 = arith.constant 0.000000e+00 : f32
    %max3A_41 = vector.broadcast %max3A_40 : f32 to vector<1024x128xf32>
    %max3A_42 = arith.maximumf %add3A_39, %max3A_41 : vector<1024x128xf32>
    %get3A_43 = arith.constant 0 : index
    %get3A_44 = arith.constant 0 : index
    %get3A_45 = vector.load %arg12[%get3A_43, %get3A_44] : memref<128x128xf32, #tpu.memory_space<vmem>>, vector<128x128xf32>
    %dot_general3A_46 = arith.constant dense<0.000000e+00> : vector<1024x128xf32>
    %dot_general3A_47 = tpu.matmul %max3A_42, %get3A_45, %dot_general3A_46 {dimension_numbers = #tpu.dot_dimension_numbers<[1], [0], [0], [1], [0, 0, 1, 1], [], []>, transpose_lhs_hint = false} : vector<1024x128xf32>, vector<128x128xf32>, vector<1024x128xf32> -> vector<1024x128xf32>
    %get3A_48 = arith.constant 0 : index
    %get3A_49 = arith.constant 0 : index
    %get3A_50 = vector.load %arg13[%get3A_48, %get3A_49] : memref<1x128xf32, #tpu.memory_space<vmem>>, vector<1x128xf32>
    %add3A_51 = vector.broadcast %get3A_50 : vector<1x128xf32> to vector<1024x128xf32>
    %add3A_52 = arith.addf %dot_general3A_47, %add3A_51 : vector<1024x128xf32>
    %concatenate3A = tpu.concatenate %add3A_29, %add3A_52 in 1 : vector<1024x128xf32>, vector<1024x128xf32> -> vector<1024x256xf32>
    %add3A_53 = arith.addf %get3A_3, %concatenate3A : vector<1024x256xf32>
    %sqrt3A = arith.constant 1.280000e+02 : f32
    %sqrt3A_54 = math.sqrt %sqrt3A : f32
    %get3A_55 = arith.constant 0 : index
    %get3A_56 = arith.constant 0 : index
    %get3A_57 = vector.load %arg14[%get3A_55, %get3A_56] : memref<256x768xf32, #tpu.memory_space<vmem>>, vector<256x768xf32>
    %dot_general3A_58 = arith.constant dense<0.000000e+00> : vector<1024x768xf32>
    %dot_general3A_59 = tpu.matmul %add3A_53, %get3A_57, %dot_general3A_58 {dimension_numbers = #tpu.dot_dimension_numbers<[1], [0], [0], [1], [0, 0, 1, 1], [], []>, transpose_lhs_hint = false} : vector<1024x256xf32>, vector<256x768xf32>, vector<1024x768xf32> -> vector<1024x768xf32>
    %get3A_60 = arith.constant 0 : index
    %get3A_61 = arith.constant 0 : index
    %get3A_62 = vector.load %arg15[%get3A_60, %get3A_61] : memref<1x768xf32, #tpu.memory_space<vmem>>, vector<1x768xf32>
    %add3A_63 = vector.broadcast %get3A_62 : vector<1x768xf32> to vector<1024x768xf32>
    %add3A_64 = arith.addf %dot_general3A_59, %add3A_63 : vector<1024x768xf32>
    %slice3A = vector.extract_strided_slice %add3A_64 {offsets = [0, 0], sizes = [1024, 128], strides = [1, 1]} : vector<1024x768xf32> to vector<1024x128xf32>
    %div3A = arith.constant 1.000000e+00 : f32
    %div3A_65 = arith.divf %div3A, %sqrt3A_54 : f32
    %mul3A = vector.broadcast %div3A_65 : f32 to vector<1024x128xf32>
    %mul3A_66 = arith.mulf %slice3A, %mul3A : vector<1024x128xf32>
    %slice3A_67 = vector.extract_strided_slice %add3A_64 {offsets = [0, 256], sizes = [1024, 128], strides = [1, 1]} : vector<1024x768xf32> to vector<1024x128xf32>
    %dot_general3A_68 = arith.constant dense<0.000000e+00> : vector<1024x1024xf32>
    %dot_general3A_69 = tpu.matmul %mul3A_66, %slice3A_67, %dot_general3A_68 {dimension_numbers = #tpu.dot_dimension_numbers<[1], [1], [0], [0], [0, 0, 1, 0], [], []>, transpose_lhs_hint = false} : vector<1024x128xf32>, vector<1024x128xf32>, vector<1024x1024xf32> -> vector<1024x1024xf32>
    %exp3A = math.exp %dot_general3A_69 : vector<1024x1024xf32>
    %reduce_sum3A = arith.constant dense<0.000000e+00> : vector<1024xf32>
    %reduce_sum3A_70 = vector.multi_reduction <add>, %exp3A, %reduce_sum3A [1] : vector<1024x1024xf32> to vector<1024xf32>
    %broadcast_in_dim3A = vector.shape_cast %reduce_sum3A_70 : vector<1024xf32> to vector<1024x1xf32>
    %div3A_71 = arith.constant 1.000000e+00 : f32
    %div3A_72 = vector.broadcast %div3A_71 : f32 to vector<1024x1xf32>
    %div3A_73 = arith.divf %div3A_72, %broadcast_in_dim3A : vector<1024x1xf32>
    %slice3A_74 = vector.extract_strided_slice %add3A_64 {offsets = [0, 512], sizes = [1024, 128], strides = [1, 1]} : vector<1024x768xf32> to vector<1024x128xf32>
    %dot_general3A_75 = arith.constant dense<0.000000e+00> : vector<1024x128xf32>
    %dot_general3A_76 = tpu.matmul %exp3A, %slice3A_74, %dot_general3A_75 {dimension_numbers = #tpu.dot_dimension_numbers<[1], [0], [0], [1], [0, 0, 1, 1], [], []>, transpose_lhs_hint = false} : vector<1024x1024xf32>, vector<1024x128xf32>, vector<1024x128xf32> -> vector<1024x128xf32>
    %mul3A_77 = vector.broadcast %div3A_73 : vector<1024x1xf32> to vector<1024x128xf32>
    %mul3A_78 = arith.mulf %dot_general3A_76, %mul3A_77 : vector<1024x128xf32>
    %get3A_79 = arith.constant 0 : index
    %get3A_80 = arith.constant 0 : index
    %get3A_81 = vector.load %arg16[%get3A_79, %get3A_80] : memref<256x256xf32, #tpu.memory_space<vmem>>, vector<128x256xf32>
    %dot_general3A_82 = arith.constant dense<0.000000e+00> : vector<1024x256xf32>
    %dot_general3A_83 = tpu.matmul %mul3A_78, %get3A_81, %dot_general3A_82 {dimension_numbers = #tpu.dot_dimension_numbers<[1], [0], [0], [1], [0, 0, 1, 1], [], []>, transpose_lhs_hint = false} : vector<1024x128xf32>, vector<128x256xf32>, vector<1024x256xf32> -> vector<1024x256xf32>
    %slice3A_84 = vector.extract_strided_slice %add3A_64 {offsets = [0, 128], sizes = [1024, 128], strides = [1, 1]} : vector<1024x768xf32> to vector<1024x128xf32>
    %div3A_85 = arith.constant 1.000000e+00 : f32
    %div3A_86 = arith.divf %div3A_85, %sqrt3A_54 : f32
    %mul3A_87 = vector.broadcast %div3A_86 : f32 to vector<1024x128xf32>
    %mul3A_88 = arith.mulf %slice3A_84, %mul3A_87 : vector<1024x128xf32>
    %slice3A_89 = vector.extract_strided_slice %add3A_64 {offsets = [0, 384], sizes = [1024, 128], strides = [1, 1]} : vector<1024x768xf32> to vector<1024x128xf32>
    %dot_general3A_90 = arith.constant dense<0.000000e+00> : vector<1024x1024xf32>
    %dot_general3A_91 = tpu.matmul %mul3A_88, %slice3A_89, %dot_general3A_90 {dimension_numbers = #tpu.dot_dimension_numbers<[1], [1], [0], [0], [0, 0, 1, 0], [], []>, transpose_lhs_hint = false} : vector<1024x128xf32>, vector<1024x128xf32>, vector<1024x1024xf32> -> vector<1024x1024xf32>
    %exp3A_92 = math.exp %dot_general3A_91 : vector<1024x1024xf32>
    %reduce_sum3A_93 = arith.constant dense<0.000000e+00> : vector<1024xf32>
    %reduce_sum3A_94 = vector.multi_reduction <add>, %exp3A_92, %reduce_sum3A_93 [1] : vector<1024x1024xf32> to vector<1024xf32>
    %broadcast_in_dim3A_95 = vector.shape_cast %reduce_sum3A_94 : vector<1024xf32> to vector<1024x1xf32>
    %div3A_96 = arith.constant 1.000000e+00 : f32
    %div3A_97 = vector.broadcast %div3A_96 : f32 to vector<1024x1xf32>
    %div3A_98 = arith.divf %div3A_97, %broadcast_in_dim3A_95 : vector<1024x1xf32>
    %slice3A_99 = vector.extract_strided_slice %add3A_64 {offsets = [0, 640], sizes = [1024, 128], strides = [1, 1]} : vector<1024x768xf32> to vector<1024x128xf32>
    %dot_general3A_100 = arith.constant dense<0.000000e+00> : vector<1024x128xf32>
    %dot_general3A_101 = tpu.matmul %exp3A_92, %slice3A_99, %dot_general3A_100 {dimension_numbers = #tpu.dot_dimension_numbers<[1], [0], [0], [1], [0, 0, 1, 1], [], []>, transpose_lhs_hint = false} : vector<1024x1024xf32>, vector<1024x128xf32>, vector<1024x128xf32> -> vector<1024x128xf32>
    %mul3A_102 = vector.broadcast %div3A_98 : vector<1024x1xf32> to vector<1024x128xf32>
    %mul3A_103 = arith.mulf %dot_general3A_101, %mul3A_102 : vector<1024x128xf32>
    %get3A_104 = arith.constant 128 : index
    %get3A_105 = arith.constant 0 : index
    %get3A_106 = vector.load %arg16[%get3A_104, %get3A_105] : memref<256x256xf32, #tpu.memory_space<vmem>>, vector<128x256xf32>
    %dot_general3A_107 = arith.constant dense<0.000000e+00> : vector<1024x256xf32>
    %dot_general3A_108 = tpu.matmul %mul3A_103, %get3A_106, %dot_general3A_107 {dimension_numbers = #tpu.dot_dimension_numbers<[1], [0], [0], [1], [0, 0, 1, 1], [], []>, transpose_lhs_hint = false} : vector<1024x128xf32>, vector<128x256xf32>, vector<1024x256xf32> -> vector<1024x256xf32>
    %add3A_109 = arith.addf %dot_general3A_83, %dot_general3A_108 : vector<1024x256xf32>
    %get3A_110 = arith.constant 0 : index
    %get3A_111 = arith.constant 0 : index
    %get3A_112 = vector.load %arg17[%get3A_110, %get3A_111] : memref<1x256xf32, #tpu.memory_space<vmem>>, vector<1x256xf32>
    %add3A_113 = vector.broadcast %get3A_112 : vector<1x256xf32> to vector<1024x256xf32>
    %add3A_114 = arith.addf %add3A_109, %add3A_113 : vector<1024x256xf32>
    %add3A_115 = arith.addf %add3A_53, %add3A_114 : vector<1024x256xf32>
    %get3A_116 = arith.constant 0 : index
    %get3A_117 = arith.constant 0 : index
    %get3A_118 = vector.load %arg18[%get3A_116, %get3A_117] : memref<1x256xf32, #tpu.memory_space<vmem>>, vector<1x256xf32>
    %get3A_119 = arith.constant 0 : index
    %get3A_120 = arith.constant 0 : index
    %get3A_121 = vector.load %arg19[%get3A_119, %get3A_120] : memref<1x256xf32, #tpu.memory_space<vmem>>, vector<1x256xf32>
    %reduce_sum3A_122 = arith.constant dense<0.000000e+00> : vector<1024xf32>
    %reduce_sum3A_123 = vector.multi_reduction <add>, %add3A_115, %reduce_sum3A_122 [1] : vector<1024x256xf32> to vector<1024xf32>
    %broadcast_in_dim3A_124 = vector.shape_cast %reduce_sum3A_123 : vector<1024xf32> to vector<1024x1xf32>
    %div3A_125 = arith.constant 2.560000e+02 : f32
    %div3A_126 = vector.broadcast %div3A_125 : f32 to vector<1024x1xf32>
    %div3A_127 = arith.divf %broadcast_in_dim3A_124, %div3A_126 : vector<1024x1xf32>
    %sub3A = vector.broadcast %div3A_127 : vector<1024x1xf32> to vector<1024x256xf32>
    %sub3A_128 = arith.subf %add3A_115, %sub3A : vector<1024x256xf32>
    %integer_pow3A = arith.mulf %sub3A_128, %sub3A_128 : vector<1024x256xf32>
    %reduce_sum3A_129 = arith.constant dense<0.000000e+00> : vector<1024xf32>
    %reduce_sum3A_130 = vector.multi_reduction <add>, %integer_pow3A, %reduce_sum3A_129 [1] : vector<1024x256xf32> to vector<1024xf32>
    %broadcast_in_dim3A_131 = vector.shape_cast %reduce_sum3A_130 : vector<1024xf32> to vector<1024x1xf32>
    %div3A_132 = arith.constant 2.560000e+02 : f32
    %div3A_133 = vector.broadcast %div3A_132 : f32 to vector<1024x1xf32>
    %div3A_134 = arith.divf %broadcast_in_dim3A_131, %div3A_133 : vector<1024x1xf32>
    %sub3A_135 = vector.broadcast %div3A_127 : vector<1024x1xf32> to vector<1024x256xf32>
    %sub3A_136 = arith.subf %add3A_115, %sub3A_135 : vector<1024x256xf32>
    %mul3A_137 = vector.broadcast %get3A_118 : vector<1x256xf32> to vector<1024x256xf32>
    %mul3A_138 = arith.mulf %mul3A_137, %sub3A_136 : vector<1024x256xf32>
    %add3A_139 = arith.constant 9.99999974E-6 : f32
    %add3A_140 = vector.broadcast %add3A_139 : f32 to vector<1024x1xf32>
    %add3A_141 = arith.addf %div3A_134, %add3A_140 : vector<1024x1xf32>
    %sqrt3A_142 = math.sqrt %add3A_141 : vector<1024x1xf32>
    %div3A_143 = vector.broadcast %sqrt3A_142 : vector<1024x1xf32> to vector<1024x256xf32>
    %div3A_144 = arith.divf %mul3A_138, %div3A_143 : vector<1024x256xf32>
    %add3A_145 = vector.broadcast %get3A_121 : vector<1x256xf32> to vector<1024x256xf32>
    %add3A_146 = arith.addf %div3A_144, %add3A_145 : vector<1024x256xf32>
    %get3A_147 = arith.constant 0 : index
    %get3A_148 = arith.constant 0 : index
    %get3A_149 = vector.load %arg20[%get3A_147, %get3A_148] : memref<256x1024xf32, #tpu.memory_space<vmem>>, vector<256x1024xf32>
    %dot_general3A_150 = arith.constant dense<0.000000e+00> : vector<1024x1024xf32>
    %dot_general3A_151 = tpu.matmul %add3A_146, %get3A_149, %dot_general3A_150 {dimension_numbers = #tpu.dot_dimension_numbers<[1], [0], [0], [1], [0, 0, 1, 1], [], []>, transpose_lhs_hint = false} : vector<1024x256xf32>, vector<256x1024xf32>, vector<1024x1024xf32> -> vector<1024x1024xf32>
    %get3A_152 = arith.constant 0 : index
    %get3A_153 = arith.constant 0 : index
    %get3A_154 = vector.load %arg21[%get3A_152, %get3A_153] : memref<1x1024xf32, #tpu.memory_space<vmem>>, vector<1x1024xf32>
    %add3A_155 = vector.broadcast %get3A_154 : vector<1x1024xf32> to vector<1024x1024xf32>
    %add3A_156 = arith.addf %dot_general3A_151, %add3A_155 : vector<1024x1024xf32>
    %max3A_157 = arith.constant 0.000000e+00 : f32
    %max3A_158 = vector.broadcast %max3A_157 : f32 to vector<1024x1024xf32>
    %max3A_159 = arith.maximumf %add3A_156, %max3A_158 : vector<1024x1024xf32>
    %get3A_160 = arith.constant 0 : index
    %get3A_161 = arith.constant 0 : index
    %get3A_162 = vector.load %arg22[%get3A_160, %get3A_161] : memref<1024x256xf32, #tpu.memory_space<vmem>>, vector<1024x256xf32>
    %dot_general3A_163 = arith.constant dense<0.000000e+00> : vector<1024x256xf32>
    %dot_general3A_164 = tpu.matmul %max3A_159, %get3A_162, %dot_general3A_163 {dimension_numbers = #tpu.dot_dimension_numbers<[1], [0], [0], [1], [0, 0, 1, 1], [], []>, transpose_lhs_hint = false} : vector<1024x1024xf32>, vector<1024x256xf32>, vector<1024x256xf32> -> vector<1024x256xf32>
    %get3A_165 = arith.constant 0 : index
    %get3A_166 = arith.constant 0 : index
    %get3A_167 = vector.load %arg23[%get3A_165, %get3A_166] : memref<1x256xf32, #tpu.memory_space<vmem>>, vector<1x256xf32>
    %add3A_168 = vector.broadcast %get3A_167 : vector<1x256xf32> to vector<1024x256xf32>
    %add3A_169 = arith.addf %dot_general3A_164, %add3A_168 : vector<1024x256xf32>
    %add3A_170 = arith.addf %add3A_146, %add3A_169 : vector<1024x256xf32>
    %get3A_171 = arith.constant 0 : index
    %get3A_172 = arith.constant 0 : index
    %get3A_173 = vector.load %arg24[%get3A_171, %get3A_172] : memref<1x256xf32, #tpu.memory_space<vmem>>, vector<1x256xf32>
    %get3A_174 = arith.constant 0 : index
    %get3A_175 = arith.constant 0 : index
    %get3A_176 = vector.load %arg25[%get3A_174, %get3A_175] : memref<1x256xf32, #tpu.memory_space<vmem>>, vector<1x256xf32>
    %reduce_sum3A_177 = arith.constant dense<0.000000e+00> : vector<1024xf32>
    %reduce_sum3A_178 = vector.multi_reduction <add>, %add3A_170, %reduce_sum3A_177 [1] : vector<1024x256xf32> to vector<1024xf32>
    %broadcast_in_dim3A_179 = vector.shape_cast %reduce_sum3A_178 : vector<1024xf32> to vector<1024x1xf32>
    %div3A_180 = arith.constant 2.560000e+02 : f32
    %div3A_181 = vector.broadcast %div3A_180 : f32 to vector<1024x1xf32>
    %div3A_182 = arith.divf %broadcast_in_dim3A_179, %div3A_181 : vector<1024x1xf32>
    %sub3A_183 = vector.broadcast %div3A_182 : vector<1024x1xf32> to vector<1024x256xf32>
    %sub3A_184 = arith.subf %add3A_170, %sub3A_183 : vector<1024x256xf32>
    %integer_pow3A_185 = arith.mulf %sub3A_184, %sub3A_184 : vector<1024x256xf32>
    %reduce_sum3A_186 = arith.constant dense<0.000000e+00> : vector<1024xf32>
    %reduce_sum3A_187 = vector.multi_reduction <add>, %integer_pow3A_185, %reduce_sum3A_186 [1] : vector<1024x256xf32> to vector<1024xf32>
    %broadcast_in_dim3A_188 = vector.shape_cast %reduce_sum3A_187 : vector<1024xf32> to vector<1024x1xf32>
    %div3A_189 = arith.constant 2.560000e+02 : f32
    %div3A_190 = vector.broadcast %div3A_189 : f32 to vector<1024x1xf32>
    %div3A_191 = arith.divf %broadcast_in_dim3A_188, %div3A_190 : vector<1024x1xf32>
    %sub3A_192 = vector.broadcast %div3A_182 : vector<1024x1xf32> to vector<1024x256xf32>
    %sub3A_193 = arith.subf %add3A_170, %sub3A_192 : vector<1024x256xf32>
    %mul3A_194 = vector.broadcast %get3A_173 : vector<1x256xf32> to vector<1024x256xf32>
    %mul3A_195 = arith.mulf %mul3A_194, %sub3A_193 : vector<1024x256xf32>
    %add3A_196 = arith.constant 9.99999974E-6 : f32
    %add3A_197 = vector.broadcast %add3A_196 : f32 to vector<1024x1xf32>
    %add3A_198 = arith.addf %div3A_191, %add3A_197 : vector<1024x1xf32>
    %sqrt3A_199 = math.sqrt %add3A_198 : vector<1024x1xf32>
    %div3A_200 = vector.broadcast %sqrt3A_199 : vector<1024x1xf32> to vector<1024x256xf32>
    %div3A_201 = arith.divf %mul3A_195, %div3A_200 : vector<1024x256xf32>
    %add3A_202 = vector.broadcast %get3A_176 : vector<1x256xf32> to vector<1024x256xf32>
    %add3A_203 = arith.addf %div3A_201, %add3A_202 : vector<1024x256xf32>
    %get3A_204 = arith.constant 0 : index
    %get3A_205 = arith.constant 0 : index
    %get3A_206 = vector.load %arg26[%get3A_204, %get3A_205] : memref<256x768xf32, #tpu.memory_space<vmem>>, vector<256x768xf32>
    %dot_general3A_207 = arith.constant dense<0.000000e+00> : vector<1024x768xf32>
    %dot_general3A_208 = tpu.matmul %add3A_203, %get3A_206, %dot_general3A_207 {dimension_numbers = #tpu.dot_dimension_numbers<[1], [0], [0], [1], [0, 0, 1, 1], [], []>, transpose_lhs_hint = false} : vector<1024x256xf32>, vector<256x768xf32>, vector<1024x768xf32> -> vector<1024x768xf32>
    %get3A_209 = arith.constant 0 : index
    %get3A_210 = arith.constant 0 : index
    %get3A_211 = vector.load %arg27[%get3A_209, %get3A_210] : memref<1x768xf32, #tpu.memory_space<vmem>>, vector<1x768xf32>
    %add3A_212 = vector.broadcast %get3A_211 : vector<1x768xf32> to vector<1024x768xf32>
    %add3A_213 = arith.addf %dot_general3A_208, %add3A_212 : vector<1024x768xf32>
    %slice3A_214 = vector.extract_strided_slice %add3A_213 {offsets = [0, 0], sizes = [1024, 128], strides = [1, 1]} : vector<1024x768xf32> to vector<1024x128xf32>
    %div3A_215 = arith.constant 1.000000e+00 : f32
    %div3A_216 = arith.divf %div3A_215, %sqrt3A_54 : f32
    %mul3A_217 = vector.broadcast %div3A_216 : f32 to vector<1024x128xf32>
    %mul3A_218 = arith.mulf %slice3A_214, %mul3A_217 : vector<1024x128xf32>
    %slice3A_219 = vector.extract_strided_slice %add3A_213 {offsets = [0, 256], sizes = [1024, 128], strides = [1, 1]} : vector<1024x768xf32> to vector<1024x128xf32>
    %dot_general3A_220 = arith.constant dense<0.000000e+00> : vector<1024x1024xf32>
    %dot_general3A_221 = tpu.matmul %mul3A_218, %slice3A_219, %dot_general3A_220 {dimension_numbers = #tpu.dot_dimension_numbers<[1], [1], [0], [0], [0, 0, 1, 0], [], []>, transpose_lhs_hint = false} : vector<1024x128xf32>, vector<1024x128xf32>, vector<1024x1024xf32> -> vector<1024x1024xf32>
    %exp3A_222 = math.exp %dot_general3A_221 : vector<1024x1024xf32>
    %reduce_sum3A_223 = arith.constant dense<0.000000e+00> : vector<1024xf32>
    %reduce_sum3A_224 = vector.multi_reduction <add>, %exp3A_222, %reduce_sum3A_223 [1] : vector<1024x1024xf32> to vector<1024xf32>
    %broadcast_in_dim3A_225 = vector.shape_cast %reduce_sum3A_224 : vector<1024xf32> to vector<1024x1xf32>
    %div3A_226 = arith.constant 1.000000e+00 : f32
    %div3A_227 = vector.broadcast %div3A_226 : f32 to vector<1024x1xf32>
    %div3A_228 = arith.divf %div3A_227, %broadcast_in_dim3A_225 : vector<1024x1xf32>
    %slice3A_229 = vector.extract_strided_slice %add3A_213 {offsets = [0, 512], sizes = [1024, 128], strides = [1, 1]} : vector<1024x768xf32> to vector<1024x128xf32>
    %dot_general3A_230 = arith.constant dense<0.000000e+00> : vector<1024x128xf32>
    %dot_general3A_231 = tpu.matmul %exp3A_222, %slice3A_229, %dot_general3A_230 {dimension_numbers = #tpu.dot_dimension_numbers<[1], [0], [0], [1], [0, 0, 1, 1], [], []>, transpose_lhs_hint = false} : vector<1024x1024xf32>, vector<1024x128xf32>, vector<1024x128xf32> -> vector<1024x128xf32>
    %mul3A_232 = vector.broadcast %div3A_228 : vector<1024x1xf32> to vector<1024x128xf32>
    %mul3A_233 = arith.mulf %dot_general3A_231, %mul3A_232 : vector<1024x128xf32>
    %get3A_234 = arith.constant 0 : index
    %get3A_235 = arith.constant 0 : index
    %get3A_236 = vector.load %arg28[%get3A_234, %get3A_235] : memref<256x256xf32, #tpu.memory_space<vmem>>, vector<128x256xf32>
    %dot_general3A_237 = arith.constant dense<0.000000e+00> : vector<1024x256xf32>
    %dot_general3A_238 = tpu.matmul %mul3A_233, %get3A_236, %dot_general3A_237 {dimension_numbers = #tpu.dot_dimension_numbers<[1], [0], [0], [1], [0, 0, 1, 1], [], []>, transpose_lhs_hint = false} : vector<1024x128xf32>, vector<128x256xf32>, vector<1024x256xf32> -> vector<1024x256xf32>
    %slice3A_239 = vector.extract_strided_slice %add3A_213 {offsets = [0, 128], sizes = [1024, 128], strides = [1, 1]} : vector<1024x768xf32> to vector<1024x128xf32>
    %div3A_240 = arith.constant 1.000000e+00 : f32
    %div3A_241 = arith.divf %div3A_240, %sqrt3A_54 : f32
    %mul3A_242 = vector.broadcast %div3A_241 : f32 to vector<1024x128xf32>
    %mul3A_243 = arith.mulf %slice3A_239, %mul3A_242 : vector<1024x128xf32>
    %slice3A_244 = vector.extract_strided_slice %add3A_213 {offsets = [0, 384], sizes = [1024, 128], strides = [1, 1]} : vector<1024x768xf32> to vector<1024x128xf32>
    %dot_general3A_245 = arith.constant dense<0.000000e+00> : vector<1024x1024xf32>
    %dot_general3A_246 = tpu.matmul %mul3A_243, %slice3A_244, %dot_general3A_245 {dimension_numbers = #tpu.dot_dimension_numbers<[1], [1], [0], [0], [0, 0, 1, 0], [], []>, transpose_lhs_hint = false} : vector<1024x128xf32>, vector<1024x128xf32>, vector<1024x1024xf32> -> vector<1024x1024xf32>
    %exp3A_247 = math.exp %dot_general3A_246 : vector<1024x1024xf32>
    %reduce_sum3A_248 = arith.constant dense<0.000000e+00> : vector<1024xf32>
    %reduce_sum3A_249 = vector.multi_reduction <add>, %exp3A_247, %reduce_sum3A_248 [1] : vector<1024x1024xf32> to vector<1024xf32>
    %broadcast_in_dim3A_250 = vector.shape_cast %reduce_sum3A_249 : vector<1024xf32> to vector<1024x1xf32>
    %div3A_251 = arith.constant 1.000000e+00 : f32
    %div3A_252 = vector.broadcast %div3A_251 : f32 to vector<1024x1xf32>
    %div3A_253 = arith.divf %div3A_252, %broadcast_in_dim3A_250 : vector<1024x1xf32>
    %slice3A_254 = vector.extract_strided_slice %add3A_213 {offsets = [0, 640], sizes = [1024, 128], strides = [1, 1]} : vector<1024x768xf32> to vector<1024x128xf32>
    %dot_general3A_255 = arith.constant dense<0.000000e+00> : vector<1024x128xf32>
    %dot_general3A_256 = tpu.matmul %exp3A_247, %slice3A_254, %dot_general3A_255 {dimension_numbers = #tpu.dot_dimension_numbers<[1], [0], [0], [1], [0, 0, 1, 1], [], []>, transpose_lhs_hint = false} : vector<1024x1024xf32>, vector<1024x128xf32>, vector<1024x128xf32> -> vector<1024x128xf32>
    %mul3A_257 = vector.broadcast %div3A_253 : vector<1024x1xf32> to vector<1024x128xf32>
    %mul3A_258 = arith.mulf %dot_general3A_256, %mul3A_257 : vector<1024x128xf32>
    %get3A_259 = arith.constant 128 : index
    %get3A_260 = arith.constant 0 : index
    %get3A_261 = vector.load %arg28[%get3A_259, %get3A_260] : memref<256x256xf32, #tpu.memory_space<vmem>>, vector<128x256xf32>
    %dot_general3A_262 = arith.constant dense<0.000000e+00> : vector<1024x256xf32>
    %dot_general3A_263 = tpu.matmul %mul3A_258, %get3A_261, %dot_general3A_262 {dimension_numbers = #tpu.dot_dimension_numbers<[1], [0], [0], [1], [0, 0, 1, 1], [], []>, transpose_lhs_hint = false} : vector<1024x128xf32>, vector<128x256xf32>, vector<1024x256xf32> -> vector<1024x256xf32>
    %add3A_264 = arith.addf %dot_general3A_238, %dot_general3A_263 : vector<1024x256xf32>
    %get3A_265 = arith.constant 0 : index
    %get3A_266 = arith.constant 0 : index
    %get3A_267 = vector.load %arg29[%get3A_265, %get3A_266] : memref<1x256xf32, #tpu.memory_space<vmem>>, vector<1x256xf32>
    %add3A_268 = vector.broadcast %get3A_267 : vector<1x256xf32> to vector<1024x256xf32>
    %add3A_269 = arith.addf %add3A_264, %add3A_268 : vector<1024x256xf32>
    %add3A_270 = arith.addf %add3A_203, %add3A_269 : vector<1024x256xf32>
    %get3A_271 = arith.constant 0 : index
    %get3A_272 = arith.constant 0 : index
    %get3A_273 = vector.load %arg30[%get3A_271, %get3A_272] : memref<1x256xf32, #tpu.memory_space<vmem>>, vector<1x256xf32>
    %get3A_274 = arith.constant 0 : index
    %get3A_275 = arith.constant 0 : index
    %get3A_276 = vector.load %arg31[%get3A_274, %get3A_275] : memref<1x256xf32, #tpu.memory_space<vmem>>, vector<1x256xf32>
    %reduce_sum3A_277 = arith.constant dense<0.000000e+00> : vector<1024xf32>
    %reduce_sum3A_278 = vector.multi_reduction <add>, %add3A_270, %reduce_sum3A_277 [1] : vector<1024x256xf32> to vector<1024xf32>
    %broadcast_in_dim3A_279 = vector.shape_cast %reduce_sum3A_278 : vector<1024xf32> to vector<1024x1xf32>
    %div3A_280 = arith.constant 2.560000e+02 : f32
    %div3A_281 = vector.broadcast %div3A_280 : f32 to vector<1024x1xf32>
    %div3A_282 = arith.divf %broadcast_in_dim3A_279, %div3A_281 : vector<1024x1xf32>
    %sub3A_283 = vector.broadcast %div3A_282 : vector<1024x1xf32> to vector<1024x256xf32>
    %sub3A_284 = arith.subf %add3A_270, %sub3A_283 : vector<1024x256xf32>
    %integer_pow3A_285 = arith.mulf %sub3A_284, %sub3A_284 : vector<1024x256xf32>
    %reduce_sum3A_286 = arith.constant dense<0.000000e+00> : vector<1024xf32>
    %reduce_sum3A_287 = vector.multi_reduction <add>, %integer_pow3A_285, %reduce_sum3A_286 [1] : vector<1024x256xf32> to vector<1024xf32>
    %broadcast_in_dim3A_288 = vector.shape_cast %reduce_sum3A_287 : vector<1024xf32> to vector<1024x1xf32>
    %div3A_289 = arith.constant 2.560000e+02 : f32
    %div3A_290 = vector.broadcast %div3A_289 : f32 to vector<1024x1xf32>
    %div3A_291 = arith.divf %broadcast_in_dim3A_288, %div3A_290 : vector<1024x1xf32>
    %sub3A_292 = vector.broadcast %div3A_282 : vector<1024x1xf32> to vector<1024x256xf32>
    %sub3A_293 = arith.subf %add3A_270, %sub3A_292 : vector<1024x256xf32>
    %mul3A_294 = vector.broadcast %get3A_273 : vector<1x256xf32> to vector<1024x256xf32>
    %mul3A_295 = arith.mulf %mul3A_294, %sub3A_293 : vector<1024x256xf32>
    %add3A_296 = arith.constant 9.99999974E-6 : f32
    %add3A_297 = vector.broadcast %add3A_296 : f32 to vector<1024x1xf32>
    %add3A_298 = arith.addf %div3A_291, %add3A_297 : vector<1024x1xf32>
    %sqrt3A_299 = math.sqrt %add3A_298 : vector<1024x1xf32>
    %div3A_300 = vector.broadcast %sqrt3A_299 : vector<1024x1xf32> to vector<1024x256xf32>
    %div3A_301 = arith.divf %mul3A_295, %div3A_300 : vector<1024x256xf32>
    %add3A_302 = vector.broadcast %get3A_276 : vector<1x256xf32> to vector<1024x256xf32>
    %add3A_303 = arith.addf %div3A_301, %add3A_302 : vector<1024x256xf32>
    %get3A_304 = arith.constant 0 : index
    %get3A_305 = arith.constant 0 : index
    %get3A_306 = vector.load %arg32[%get3A_304, %get3A_305] : memref<256x1024xf32, #tpu.memory_space<vmem>>, vector<256x1024xf32>
    %dot_general3A_307 = arith.constant dense<0.000000e+00> : vector<1024x1024xf32>
    %dot_general3A_308 = tpu.matmul %add3A_303, %get3A_306, %dot_general3A_307 {dimension_numbers = #tpu.dot_dimension_numbers<[1], [0], [0], [1], [0, 0, 1, 1], [], []>, transpose_lhs_hint = false} : vector<1024x256xf32>, vector<256x1024xf32>, vector<1024x1024xf32> -> vector<1024x1024xf32>
    %get3A_309 = arith.constant 0 : index
    %get3A_310 = arith.constant 0 : index
    %get3A_311 = vector.load %arg33[%get3A_309, %get3A_310] : memref<1x1024xf32, #tpu.memory_space<vmem>>, vector<1x1024xf32>
    %add3A_312 = vector.broadcast %get3A_311 : vector<1x1024xf32> to vector<1024x1024xf32>
    %add3A_313 = arith.addf %dot_general3A_308, %add3A_312 : vector<1024x1024xf32>
    %max3A_314 = arith.constant 0.000000e+00 : f32
    %max3A_315 = vector.broadcast %max3A_314 : f32 to vector<1024x1024xf32>
    %max3A_316 = arith.maximumf %add3A_313, %max3A_315 : vector<1024x1024xf32>
    %get3A_317 = arith.constant 0 : index
    %get3A_318 = arith.constant 0 : index
    %get3A_319 = vector.load %arg34[%get3A_317, %get3A_318] : memref<1024x256xf32, #tpu.memory_space<vmem>>, vector<1024x256xf32>
    %dot_general3A_320 = arith.constant dense<0.000000e+00> : vector<1024x256xf32>
    %dot_general3A_321 = tpu.matmul %max3A_316, %get3A_319, %dot_general3A_320 {dimension_numbers = #tpu.dot_dimension_numbers<[1], [0], [0], [1], [0, 0, 1, 1], [], []>, transpose_lhs_hint = false} : vector<1024x1024xf32>, vector<1024x256xf32>, vector<1024x256xf32> -> vector<1024x256xf32>
    %get3A_322 = arith.constant 0 : index
    %get3A_323 = arith.constant 0 : index
    %get3A_324 = vector.load %arg35[%get3A_322, %get3A_323] : memref<1x256xf32, #tpu.memory_space<vmem>>, vector<1x256xf32>
    %add3A_325 = vector.broadcast %get3A_324 : vector<1x256xf32> to vector<1024x256xf32>
    %add3A_326 = arith.addf %dot_general3A_321, %add3A_325 : vector<1024x256xf32>
    %add3A_327 = arith.addf %add3A_303, %add3A_326 : vector<1024x256xf32>
    %get3A_328 = arith.constant 0 : index
    %get3A_329 = arith.constant 0 : index
    %get3A_330 = vector.load %arg36[%get3A_328, %get3A_329] : memref<1x256xf32, #tpu.memory_space<vmem>>, vector<1x256xf32>
    %get3A_331 = arith.constant 0 : index
    %get3A_332 = arith.constant 0 : index
    %get3A_333 = vector.load %arg37[%get3A_331, %get3A_332] : memref<1x256xf32, #tpu.memory_space<vmem>>, vector<1x256xf32>
    %reduce_sum3A_334 = arith.constant dense<0.000000e+00> : vector<1024xf32>
    %reduce_sum3A_335 = vector.multi_reduction <add>, %add3A_327, %reduce_sum3A_334 [1] : vector<1024x256xf32> to vector<1024xf32>
    %broadcast_in_dim3A_336 = vector.shape_cast %reduce_sum3A_335 : vector<1024xf32> to vector<1024x1xf32>
    %div3A_337 = arith.constant 2.560000e+02 : f32
    %div3A_338 = vector.broadcast %div3A_337 : f32 to vector<1024x1xf32>
    %div3A_339 = arith.divf %broadcast_in_dim3A_336, %div3A_338 : vector<1024x1xf32>
    %sub3A_340 = vector.broadcast %div3A_339 : vector<1024x1xf32> to vector<1024x256xf32>
    %sub3A_341 = arith.subf %add3A_327, %sub3A_340 : vector<1024x256xf32>
    %integer_pow3A_342 = arith.mulf %sub3A_341, %sub3A_341 : vector<1024x256xf32>
    %reduce_sum3A_343 = arith.constant dense<0.000000e+00> : vector<1024xf32>
    %reduce_sum3A_344 = vector.multi_reduction <add>, %integer_pow3A_342, %reduce_sum3A_343 [1] : vector<1024x256xf32> to vector<1024xf32>
    %broadcast_in_dim3A_345 = vector.shape_cast %reduce_sum3A_344 : vector<1024xf32> to vector<1024x1xf32>
    %div3A_346 = arith.constant 2.560000e+02 : f32
    %div3A_347 = vector.broadcast %div3A_346 : f32 to vector<1024x1xf32>
    %div3A_348 = arith.divf %broadcast_in_dim3A_345, %div3A_347 : vector<1024x1xf32>
    %sub3A_349 = vector.broadcast %div3A_339 : vector<1024x1xf32> to vector<1024x256xf32>
    %sub3A_350 = arith.subf %add3A_327, %sub3A_349 : vector<1024x256xf32>
    %mul3A_351 = vector.broadcast %get3A_330 : vector<1x256xf32> to vector<1024x256xf32>
    %mul3A_352 = arith.mulf %mul3A_351, %sub3A_350 : vector<1024x256xf32>
    %add3A_353 = arith.constant 9.99999974E-6 : f32
    %add3A_354 = vector.broadcast %add3A_353 : f32 to vector<1024x1xf32>
    %add3A_355 = arith.addf %div3A_348, %add3A_354 : vector<1024x1xf32>
    %sqrt3A_356 = math.sqrt %add3A_355 : vector<1024x1xf32>
    %div3A_357 = vector.broadcast %sqrt3A_356 : vector<1024x1xf32> to vector<1024x256xf32>
    %div3A_358 = arith.divf %mul3A_352, %div3A_357 : vector<1024x256xf32>
    %add3A_359 = vector.broadcast %get3A_333 : vector<1x256xf32> to vector<1024x256xf32>
    %add3A_360 = arith.addf %div3A_358, %add3A_359 : vector<1024x256xf32>
    %get3A_361 = arith.constant 0 : index
    %get3A_362 = arith.constant 0 : index
    %get3A_363 = vector.load %arg38[%get3A_361, %get3A_362] : memref<4x256xf32, #tpu.memory_space<vmem>>, vector<4x256xf32>
    %get3A_364 = arith.constant 0 : index
    %get3A_365 = arith.constant 0 : index
    %get3A_366 = vector.load %arg39[%get3A_364, %get3A_365] : memref<256x256xf32, #tpu.memory_space<vmem>>, vector<256x256xf32>
    %dot_general3A_367 = arith.constant dense<0.000000e+00> : vector<4x256xf32>
    %dot_general3A_368 = tpu.matmul %get3A_363, %get3A_366, %dot_general3A_367 {dimension_numbers = #tpu.dot_dimension_numbers<[1], [0], [0], [1], [0, 0, 1, 1], [], []>, transpose_lhs_hint = false} : vector<4x256xf32>, vector<256x256xf32>, vector<4x256xf32> -> vector<4x256xf32>
    %get3A_369 = arith.constant 0 : index
    %get3A_370 = arith.constant 0 : index
    %get3A_371 = vector.load %arg40[%get3A_369, %get3A_370] : memref<1x256xf32, #tpu.memory_space<vmem>>, vector<1x256xf32>
    %add3A_372 = vector.broadcast %get3A_371 : vector<1x256xf32> to vector<4x256xf32>
    %add3A_373 = arith.addf %dot_general3A_368, %add3A_372 : vector<4x256xf32>
    %get3A_374 = arith.constant 0 : index
    %get3A_375 = arith.constant 0 : index
    %get3A_376 = vector.load %arg41[%get3A_374, %get3A_375] : memref<256x256xf32, #tpu.memory_space<vmem>>, vector<256x256xf32>
    %dot_general3A_377 = arith.constant dense<0.000000e+00> : vector<1024x256xf32>
    %dot_general3A_378 = tpu.matmul %add3A_360, %get3A_376, %dot_general3A_377 {dimension_numbers = #tpu.dot_dimension_numbers<[1], [0], [0], [1], [0, 0, 1, 1], [], []>, transpose_lhs_hint = false} : vector<1024x256xf32>, vector<256x256xf32>, vector<1024x256xf32> -> vector<1024x256xf32>
    %get3A_379 = arith.constant 0 : index
    %get3A_380 = arith.constant 0 : index
    %get3A_381 = vector.load %arg42[%get3A_379, %get3A_380] : memref<1x256xf32, #tpu.memory_space<vmem>>, vector<1x256xf32>
    %add3A_382 = vector.broadcast %get3A_381 : vector<1x256xf32> to vector<1024x256xf32>
    %add3A_383 = arith.addf %dot_general3A_378, %add3A_382 : vector<1024x256xf32>
    %get3A_384 = arith.constant 0 : index
    %get3A_385 = arith.constant 0 : index
    %get3A_386 = vector.load %arg43[%get3A_384, %get3A_385] : memref<256x256xf32, #tpu.memory_space<vmem>>, vector<256x256xf32>
    %dot_general3A_387 = arith.constant dense<0.000000e+00> : vector<1024x256xf32>
    %dot_general3A_388 = tpu.matmul %add3A_360, %get3A_386, %dot_general3A_387 {dimension_numbers = #tpu.dot_dimension_numbers<[1], [0], [0], [1], [0, 0, 1, 1], [], []>, transpose_lhs_hint = false} : vector<1024x256xf32>, vector<256x256xf32>, vector<1024x256xf32> -> vector<1024x256xf32>
    %get3A_389 = arith.constant 0 : index
    %get3A_390 = arith.constant 0 : index
    %get3A_391 = vector.load %arg44[%get3A_389, %get3A_390] : memref<1x256xf32, #tpu.memory_space<vmem>>, vector<1x256xf32>
    %add3A_392 = vector.broadcast %get3A_391 : vector<1x256xf32> to vector<1024x256xf32>
    %add3A_393 = arith.addf %dot_general3A_388, %add3A_392 : vector<1024x256xf32>
    %get3A_394 = arith.constant 0 : index
    %get3A_395 = arith.constant 0 : index
    %get3A_396 = arith.constant 0 : index
    %get3A_397 = vector.load %arg4[%get3A_394, %get3A_395, %get3A_396] : memref<1x1x1024xf32, #tpu.memory_space<vmem>>, vector<1x1x1024xf32>
    %get3A_398 = vector.shape_cast %get3A_397 : vector<1x1x1024xf32> to vector<1x1024xf32>
    %get3A_399 = arith.constant 0 : index
    %get3A_400 = arith.constant 0 : index
    %get3A_401 = vector.load %arg5[%get3A_399, %get3A_400] : memref<4x1024xf32, #tpu.memory_space<vmem>>, vector<4x1024xf32>
    %slice3A_402 = vector.extract_strided_slice %add3A_373 {offsets = [0, 0], sizes = [4, 128], strides = [1, 1]} : vector<4x256xf32> to vector<4x128xf32>
    %div3A_403 = arith.constant 1.000000e+00 : f32
    %div3A_404 = arith.divf %div3A_403, %sqrt3A_54 : f32
    %mul3A_405 = vector.broadcast %div3A_404 : f32 to vector<4x128xf32>
    %mul3A_406 = arith.mulf %slice3A_402, %mul3A_405 : vector<4x128xf32>
    %slice3A_407 = vector.extract_strided_slice %add3A_383 {offsets = [0, 0], sizes = [1024, 128], strides = [1, 1]} : vector<1024x256xf32> to vector<1024x128xf32>
    %dot_general3A_408 = arith.constant dense<0.000000e+00> : vector<4x1024xf32>
    %dot_general3A_409 = tpu.matmul %mul3A_406, %slice3A_407, %dot_general3A_408 {dimension_numbers = #tpu.dot_dimension_numbers<[1], [1], [0], [0], [0, 0, 1, 0], [], []>, transpose_lhs_hint = false} : vector<4x128xf32>, vector<1024x128xf32>, vector<4x1024xf32> -> vector<4x1024xf32>
    %add3A_410 = arith.addf %dot_general3A_409, %get3A_401 : vector<4x1024xf32>
    %gt3A = arith.constant 0.000000e+00 : f32
    %gt3A_411 = vector.broadcast %gt3A : f32 to vector<1x1024xf32>
    %gt3A_412 = arith.cmpf ogt, %get3A_398, %gt3A_411 : vector<1x1024xf32>
    %jit3A = arith.constant -1.000000e+09 : f32
    %broadcast_in_dim3A_413 = vector.shape_cast %gt3A_412 : vector<1x1024xi1> to vector<1x1024xi1>
    %broadcast_in_dim3A_414 = vector.broadcast %broadcast_in_dim3A_413 : vector<1x1024xi1> to vector<4x1024xi1>
    %broadcast_in_dim3A_415 = vector.broadcast %jit3A : f32 to vector<4x1024xf32>
    %select_n3A = arith.select %broadcast_in_dim3A_414, %broadcast_in_dim3A_415, %add3A_410 : vector<4x1024xi1>, vector<4x1024xf32>
    %exp3A_416 = math.exp %select_n3A : vector<4x1024xf32>
    %reduce_sum3A_417 = arith.constant dense<0.000000e+00> : vector<4xf32>
    %reduce_sum3A_418 = vector.multi_reduction <add>, %exp3A_416, %reduce_sum3A_417 [1] : vector<4x1024xf32> to vector<4xf32>
    %broadcast_in_dim3A_419 = vector.shape_cast %reduce_sum3A_418 : vector<4xf32> to vector<4x1xf32>
    %div3A_420 = arith.constant 1.000000e+00 : f32
    %div3A_421 = vector.broadcast %div3A_420 : f32 to vector<4x1xf32>
    %div3A_422 = arith.divf %div3A_421, %broadcast_in_dim3A_419 : vector<4x1xf32>
    %mul3A_423 = vector.broadcast %div3A_422 : vector<4x1xf32> to vector<4x1024xf32>
    %mul3A_424 = arith.mulf %exp3A_416, %mul3A_423 : vector<4x1024xf32>
    %slice3A_425 = vector.extract_strided_slice %add3A_393 {offsets = [0, 0], sizes = [1024, 128], strides = [1, 1]} : vector<1024x256xf32> to vector<1024x128xf32>
    %dot_general3A_426 = arith.constant dense<0.000000e+00> : vector<4x128xf32>
    %dot_general3A_427 = tpu.matmul %mul3A_424, %slice3A_425, %dot_general3A_426 {dimension_numbers = #tpu.dot_dimension_numbers<[1], [0], [0], [1], [0, 0, 1, 1], [], []>, transpose_lhs_hint = false} : vector<4x1024xf32>, vector<1024x128xf32>, vector<4x128xf32> -> vector<4x128xf32>
    %get3A_428 = arith.constant 0 : index
    %get3A_429 = arith.constant 0 : index
    %get3A_430 = vector.load %arg45[%get3A_428, %get3A_429] : memref<256x256xf32, #tpu.memory_space<vmem>>, vector<128x256xf32>
    %dot_general3A_431 = arith.constant dense<0.000000e+00> : vector<4x256xf32>
    %dot_general3A_432 = tpu.matmul %dot_general3A_427, %get3A_430, %dot_general3A_431 {dimension_numbers = #tpu.dot_dimension_numbers<[1], [0], [0], [1], [0, 0, 1, 1], [], []>, transpose_lhs_hint = false} : vector<4x128xf32>, vector<128x256xf32>, vector<4x256xf32> -> vector<4x256xf32>
    %slice3A_433 = vector.extract_strided_slice %add3A_373 {offsets = [0, 128], sizes = [4, 128], strides = [1, 1]} : vector<4x256xf32> to vector<4x128xf32>
    %div3A_434 = arith.constant 1.000000e+00 : f32
    %div3A_435 = arith.divf %div3A_434, %sqrt3A_54 : f32
    %mul3A_436 = vector.broadcast %div3A_435 : f32 to vector<4x128xf32>
    %mul3A_437 = arith.mulf %slice3A_433, %mul3A_436 : vector<4x128xf32>
    %slice3A_438 = vector.extract_strided_slice %add3A_383 {offsets = [0, 128], sizes = [1024, 128], strides = [1, 1]} : vector<1024x256xf32> to vector<1024x128xf32>
    %dot_general3A_439 = arith.constant dense<0.000000e+00> : vector<4x1024xf32>
    %dot_general3A_440 = tpu.matmul %mul3A_437, %slice3A_438, %dot_general3A_439 {dimension_numbers = #tpu.dot_dimension_numbers<[1], [1], [0], [0], [0, 0, 1, 0], [], []>, transpose_lhs_hint = false} : vector<4x128xf32>, vector<1024x128xf32>, vector<4x1024xf32> -> vector<4x1024xf32>
    %add3A_441 = arith.addf %dot_general3A_440, %get3A_401 : vector<4x1024xf32>
    %gt3A_442 = arith.constant 0.000000e+00 : f32
    %gt3A_443 = vector.broadcast %gt3A_442 : f32 to vector<1x1024xf32>
    %gt3A_444 = arith.cmpf ogt, %get3A_398, %gt3A_443 : vector<1x1024xf32>
    %jit3A_445 = arith.constant -1.000000e+09 : f32
    %broadcast_in_dim3A_446 = vector.shape_cast %gt3A_444 : vector<1x1024xi1> to vector<1x1024xi1>
    %broadcast_in_dim3A_447 = vector.broadcast %broadcast_in_dim3A_446 : vector<1x1024xi1> to vector<4x1024xi1>
    %broadcast_in_dim3A_448 = vector.broadcast %jit3A_445 : f32 to vector<4x1024xf32>
    %select_n3A_449 = arith.select %broadcast_in_dim3A_447, %broadcast_in_dim3A_448, %add3A_441 : vector<4x1024xi1>, vector<4x1024xf32>
    %exp3A_450 = math.exp %select_n3A_449 : vector<4x1024xf32>
    %reduce_sum3A_451 = arith.constant dense<0.000000e+00> : vector<4xf32>
    %reduce_sum3A_452 = vector.multi_reduction <add>, %exp3A_450, %reduce_sum3A_451 [1] : vector<4x1024xf32> to vector<4xf32>
    %broadcast_in_dim3A_453 = vector.shape_cast %reduce_sum3A_452 : vector<4xf32> to vector<4x1xf32>
    %div3A_454 = arith.constant 1.000000e+00 : f32
    %div3A_455 = vector.broadcast %div3A_454 : f32 to vector<4x1xf32>
    %div3A_456 = arith.divf %div3A_455, %broadcast_in_dim3A_453 : vector<4x1xf32>
    %mul3A_457 = vector.broadcast %div3A_456 : vector<4x1xf32> to vector<4x1024xf32>
    %mul3A_458 = arith.mulf %exp3A_450, %mul3A_457 : vector<4x1024xf32>
    %slice3A_459 = vector.extract_strided_slice %add3A_393 {offsets = [0, 128], sizes = [1024, 128], strides = [1, 1]} : vector<1024x256xf32> to vector<1024x128xf32>
    %dot_general3A_460 = arith.constant dense<0.000000e+00> : vector<4x128xf32>
    %dot_general3A_461 = tpu.matmul %mul3A_458, %slice3A_459, %dot_general3A_460 {dimension_numbers = #tpu.dot_dimension_numbers<[1], [0], [0], [1], [0, 0, 1, 1], [], []>, transpose_lhs_hint = false} : vector<4x1024xf32>, vector<1024x128xf32>, vector<4x128xf32> -> vector<4x128xf32>
    %get3A_462 = arith.constant 128 : index
    %get3A_463 = arith.constant 0 : index
    %get3A_464 = vector.load %arg45[%get3A_462, %get3A_463] : memref<256x256xf32, #tpu.memory_space<vmem>>, vector<128x256xf32>
    %dot_general3A_465 = arith.constant dense<0.000000e+00> : vector<4x256xf32>
    %dot_general3A_466 = tpu.matmul %dot_general3A_461, %get3A_464, %dot_general3A_465 {dimension_numbers = #tpu.dot_dimension_numbers<[1], [0], [0], [1], [0, 0, 1, 1], [], []>, transpose_lhs_hint = false} : vector<4x128xf32>, vector<128x256xf32>, vector<4x256xf32> -> vector<4x256xf32>
    %add3A_467 = arith.addf %dot_general3A_432, %dot_general3A_466 : vector<4x256xf32>
    %get3A_468 = arith.constant 0 : index
    %get3A_469 = arith.constant 0 : index
    %get3A_470 = vector.load %arg46[%get3A_468, %get3A_469] : memref<1x256xf32, #tpu.memory_space<vmem>>, vector<1x256xf32>
    %add3A_471 = vector.broadcast %get3A_470 : vector<1x256xf32> to vector<4x256xf32>
    %add3A_472 = arith.addf %add3A_467, %add3A_471 : vector<4x256xf32>
    %get3A_473 = arith.constant 0 : index
    %get3A_474 = arith.constant 0 : index
    %get3A_475 = vector.load %arg47[%get3A_473, %get3A_474] : memref<1x256xf32, #tpu.memory_space<vmem>>, vector<1x256xf32>
    %get3A_476 = arith.constant 0 : index
    %get3A_477 = arith.constant 0 : index
    %get3A_478 = vector.load %arg48[%get3A_476, %get3A_477] : memref<1x256xf32, #tpu.memory_space<vmem>>, vector<1x256xf32>
    %reduce_sum3A_479 = arith.constant dense<0.000000e+00> : vector<4xf32>
    %reduce_sum3A_480 = vector.multi_reduction <add>, %add3A_472, %reduce_sum3A_479 [1] : vector<4x256xf32> to vector<4xf32>
    %broadcast_in_dim3A_481 = vector.shape_cast %reduce_sum3A_480 : vector<4xf32> to vector<4x1xf32>
    %div3A_482 = arith.constant 2.560000e+02 : f32
    %div3A_483 = vector.broadcast %div3A_482 : f32 to vector<4x1xf32>
    %div3A_484 = arith.divf %broadcast_in_dim3A_481, %div3A_483 : vector<4x1xf32>
    %sub3A_485 = vector.broadcast %div3A_484 : vector<4x1xf32> to vector<4x256xf32>
    %sub3A_486 = arith.subf %add3A_472, %sub3A_485 : vector<4x256xf32>
    %integer_pow3A_487 = arith.mulf %sub3A_486, %sub3A_486 : vector<4x256xf32>
    %reduce_sum3A_488 = arith.constant dense<0.000000e+00> : vector<4xf32>
    %reduce_sum3A_489 = vector.multi_reduction <add>, %integer_pow3A_487, %reduce_sum3A_488 [1] : vector<4x256xf32> to vector<4xf32>
    %broadcast_in_dim3A_490 = vector.shape_cast %reduce_sum3A_489 : vector<4xf32> to vector<4x1xf32>
    %div3A_491 = arith.constant 2.560000e+02 : f32
    %div3A_492 = vector.broadcast %div3A_491 : f32 to vector<4x1xf32>
    %div3A_493 = arith.divf %broadcast_in_dim3A_490, %div3A_492 : vector<4x1xf32>
    %sub3A_494 = vector.broadcast %div3A_484 : vector<4x1xf32> to vector<4x256xf32>
    %sub3A_495 = arith.subf %add3A_472, %sub3A_494 : vector<4x256xf32>
    %mul3A_496 = vector.broadcast %get3A_475 : vector<1x256xf32> to vector<4x256xf32>
    %mul3A_497 = arith.mulf %mul3A_496, %sub3A_495 : vector<4x256xf32>
    %add3A_498 = arith.constant 9.99999974E-6 : f32
    %add3A_499 = vector.broadcast %add3A_498 : f32 to vector<4x1xf32>
    %add3A_500 = arith.addf %div3A_493, %add3A_499 : vector<4x1xf32>
    %sqrt3A_501 = math.sqrt %add3A_500 : vector<4x1xf32>
    %div3A_502 = vector.broadcast %sqrt3A_501 : vector<4x1xf32> to vector<4x256xf32>
    %div3A_503 = arith.divf %mul3A_497, %div3A_502 : vector<4x256xf32>
    %add3A_504 = vector.broadcast %get3A_478 : vector<1x256xf32> to vector<4x256xf32>
    %add3A_505 = arith.addf %div3A_503, %add3A_504 : vector<4x256xf32>
    %reduce_sum3A_506 = arith.constant dense<0.000000e+00> : vector<256xf32>
    %reduce_sum3A_507 = vector.multi_reduction <add>, %add3A_360, %reduce_sum3A_506 [0] : vector<1024x256xf32> to vector<256xf32>
    %broadcast_in_dim3A_508 = vector.shape_cast %reduce_sum3A_507 : vector<256xf32> to vector<1x256xf32>
    %div3A_509 = arith.constant 1.024000e+03 : f32
    %div3A_510 = vector.broadcast %div3A_509 : f32 to vector<1x256xf32>
    %div3A_511 = arith.divf %broadcast_in_dim3A_508, %div3A_510 : vector<1x256xf32>
    %swap3A = arith.constant 0 : index
    %swap3A_512 = arith.constant 0 : index
    %swap3A_513 = arith.constant 0 : index
    %swap3A_514 = vector.load %arg49[%swap3A, %swap3A_512, %swap3A_513] : memref<1x5x256xf32, #tpu.memory_space<vmem>>, vector<1x1x256xf32>
    %swap3A_515 = vector.shape_cast %swap3A_514 : vector<1x1x256xf32> to vector<1x256xf32>
    %swap3A_516 = vector.shape_cast %div3A_511 : vector<1x256xf32> to vector<1x1x256xf32>
    tpu.vector_store %arg49[%swap3A, %swap3A_512, %swap3A_513], %swap3A_516 {strides = array<i32>} : memref<1x5x256xf32, #tpu.memory_space<vmem>>, vector<1x1x256xf32>,
    %swap3A_517 = arith.constant 0 : index
    %swap3A_518 = arith.constant 1 : index
    %swap3A_519 = arith.constant 0 : index
    %swap3A_520 = vector.load %arg49[%swap3A_517, %swap3A_518, %swap3A_519] : memref<1x5x256xf32, #tpu.memory_space<vmem>>, vector<1x4x256xf32>
    %swap3A_521 = vector.shape_cast %swap3A_520 : vector<1x4x256xf32> to vector<4x256xf32>
    %swap3A_522 = vector.shape_cast %add3A_505 : vector<4x256xf32> to vector<1x4x256xf32>
    tpu.vector_store %arg49[%swap3A_517, %swap3A_518, %swap3A_519], %swap3A_522 {strides = array<i32>} : memref<1x5x256xf32, #tpu.memory_space<vmem>>, vector<1x4x256xf32>,
    return
  }
  func.func @transform_0(%arg0: i32) -> (i32, i32, i32) {
    %c0_i32 = arith.constant 0 : i32
    %c0_i32_0 = arith.constant 0 : i32
    %c0_i32_1 = arith.constant 0 : i32
    return %arg0, %c0_i32, %c0_i32_0 : i32, i32, i32
  }
  func.func @transform_1(%arg0: i32) -> (i32, i32) {
    %c0_i32 = arith.constant 0 : i32
    %c0_i32_0 = arith.constant 0 : i32
    return %arg0, %c0_i32 : i32, i32
  }
  func.func @transform_2(%arg0: i32) -> (i32, i32) {
    %c0_i32 = arith.constant 0 : i32
    %c0_i32_0 = arith.constant 0 : i32
    return %arg0, %c0_i32 : i32, i32
  }
  func.func @transform_3(%arg0: i32) -> (i32, i32, i32) {
    %c0_i32 = arith.constant 0 : i32
    %c0_i32_0 = arith.constant 0 : i32
    %c0_i32_1 = arith.constant 0 : i32
    return %arg0, %c0_i32, %c0_i32_0 : i32, i32, i32
  }
  func.func @transform_4(%arg0: i32) -> (i32, i32) {
    %c0_i32 = arith.constant 0 : i32
    %c0_i32_0 = arith.constant 0 : i32
    %c0_i32_1 = arith.constant 0 : i32
    return %c0_i32, %c0_i32_0 : i32, i32
  }
  func.func @transform_5(%arg0: i32) -> (i32, i32) {
    %c0_i32 = arith.constant 0 : i32
    %c0_i32_0 = arith.constant 0 : i32
    %c0_i32_1 = arith.constant 0 : i32
    return %c0_i32, %c0_i32_0 : i32, i32
  }
  func.func @transform_6(%arg0: i32) -> (i32, i32) {
    %c0_i32 = arith.constant 0 : i32
    %c0_i32_0 = arith.constant 0 : i32
    %c0_i32_1 = arith.constant 0 : i32
    return %c0_i32, %c0_i32_0 : i32, i32
  }
  func.func @transform_7(%arg0: i32) -> (i32, i32) {
    %c0_i32 = arith.constant 0 : i32
    %c0_i32_0 = arith.constant 0 : i32
    %c0_i32_1 = arith.constant 0 : i32
    return %c0_i32, %c0_i32_0 : i32, i32
  }
  func.func @transform_8(%arg0: i32) -> (i32, i32) {
    %c0_i32 = arith.constant 0 : i32
    %c0_i32_0 = arith.constant 0 : i32
    %c0_i32_1 = arith.constant 0 : i32
    return %c0_i32, %c0_i32_0 : i32, i32
  }
  func.func @transform_9(%arg0: i32) -> (i32, i32) {
    %c0_i32 = arith.constant 0 : i32
    %c0_i32_0 = arith.constant 0 : i32
    %c0_i32_1 = arith.constant 0 : i32
    return %c0_i32, %c0_i32_0 : i32, i32
  }
  func.func @transform_10(%arg0: i32) -> (i32, i32) {
    %c0_i32 = arith.constant 0 : i32
    %c0_i32_0 = arith.constant 0 : i32
    %c0_i32_1 = arith.constant 0 : i32
    return %c0_i32, %c0_i32_0 : i32, i32
  }
  func.func @transform_11(%arg0: i32) -> (i32, i32) {
    %c0_i32 = arith.constant 0 : i32
    %c0_i32_0 = arith.constant 0 : i32
    %c0_i32_1 = arith.constant 0 : i32
    return %c0_i32, %c0_i32_0 : i32, i32
  }
  func.func @transform_12(%arg0: i32) -> (i32, i32) {
    %c0_i32 = arith.constant 0 : i32
    %c0_i32_0 = arith.constant 0 : i32
    %c0_i32_1 = arith.constant 0 : i32
    return %c0_i32, %c0_i32_0 : i32, i32
  }
  func.func @transform_13(%arg0: i32) -> (i32, i32) {
    %c0_i32 = arith.constant 0 : i32
    %c0_i32_0 = arith.constant 0 : i32
    %c0_i32_1 = arith.constant 0 : i32
    return %c0_i32, %c0_i32_0 : i32, i32
  }
  func.func @transform_14(%arg0: i32) -> (i32, i32) {
    %c0_i32 = arith.constant 0 : i32
    %c0_i32_0 = arith.constant 0 : i32
    %c0_i32_1 = arith.constant 0 : i32
    return %c0_i32, %c0_i32_0 : i32, i32
  }
  func.func @transform_15(%arg0: i32) -> (i32, i32) {
    %c0_i32 = arith.constant 0 : i32
    %c0_i32_0 = arith.constant 0 : i32
    %c0_i32_1 = arith.constant 0 : i32
    return %c0_i32, %c0_i32_0 : i32, i32
  }
  func.func @transform_16(%arg0: i32) -> (i32, i32) {
    %c0_i32 = arith.constant 0 : i32
    %c0_i32_0 = arith.constant 0 : i32
    %c0_i32_1 = arith.constant 0 : i32
    return %c0_i32, %c0_i32_0 : i32, i32
  }
  func.func @transform_17(%arg0: i32) -> (i32, i32) {
    %c0_i32 = arith.constant 0 : i32
    %c0_i32_0 = arith.constant 0 : i32
    %c0_i32_1 = arith.constant 0 : i32
    return %c0_i32, %c0_i32_0 : i32, i32
  }
  func.func @transform_18(%arg0: i32) -> (i32, i32) {
    %c0_i32 = arith.constant 0 : i32
    %c0_i32_0 = arith.constant 0 : i32
    %c0_i32_1 = arith.constant 0 : i32
    return %c0_i32, %c0_i32_0 : i32, i32
  }
  func.func @transform_19(%arg0: i32) -> (i32, i32) {
    %c0_i32 = arith.constant 0 : i32
    %c0_i32_0 = arith.constant 0 : i32
    %c0_i32_1 = arith.constant 0 : i32
    return %c0_i32, %c0_i32_0 : i32, i32
  }
  func.func @transform_20(%arg0: i32) -> (i32, i32) {
    %c0_i32 = arith.constant 0 : i32
    %c0_i32_0 = arith.constant 0 : i32
    %c0_i32_1 = arith.constant 0 : i32
    return %c0_i32, %c0_i32_0 : i32, i32
  }
  func.func @transform_21(%arg0: i32) -> (i32, i32) {
    %c0_i32 = arith.constant 0 : i32
    %c0_i32_0 = arith.constant 0 : i32
    %c0_i32_1 = arith.constant 0 : i32
    return %c0_i32, %c0_i32_0 : i32, i32
  }
  func.func @transform_22(%arg0: i32) -> (i32, i32) {
    %c0_i32 = arith.constant 0 : i32
    %c0_i32_0 = arith.constant 0 : i32
    %c0_i32_1 = arith.constant 0 : i32
    return %c0_i32, %c0_i32_0 : i32, i32
  }
  func.func @transform_23(%arg0: i32) -> (i32, i32) {
    %c0_i32 = arith.constant 0 : i32
    %c0_i32_0 = arith.constant 0 : i32
    %c0_i32_1 = arith.constant 0 : i32
    return %c0_i32, %c0_i32_0 : i32, i32
  }
  func.func @transform_24(%arg0: i32) -> (i32, i32) {
    %c0_i32 = arith.constant 0 : i32
    %c0_i32_0 = arith.constant 0 : i32
    %c0_i32_1 = arith.constant 0 : i32
    return %c0_i32, %c0_i32_0 : i32, i32
  }
  func.func @transform_25(%arg0: i32) -> (i32, i32) {
    %c0_i32 = arith.constant 0 : i32
    %c0_i32_0 = arith.constant 0 : i32
    %c0_i32_1 = arith.constant 0 : i32
    return %c0_i32, %c0_i32_0 : i32, i32
  }
  func.func @transform_26(%arg0: i32) -> (i32, i32) {
    %c0_i32 = arith.constant 0 : i32
    %c0_i32_0 = arith.constant 0 : i32
    %c0_i32_1 = arith.constant 0 : i32
    return %c0_i32, %c0_i32_0 : i32, i32
  }
  func.func @transform_27(%arg0: i32) -> (i32, i32) {
    %c0_i32 = arith.constant 0 : i32
    %c0_i32_0 = arith.constant 0 : i32
    %c0_i32_1 = arith.constant 0 : i32
    return %c0_i32, %c0_i32_0 : i32, i32
  }
  func.func @transform_28(%arg0: i32) -> (i32, i32) {
    %c0_i32 = arith.constant 0 : i32
    %c0_i32_0 = arith.constant 0 : i32
    %c0_i32_1 = arith.constant 0 : i32
    return %c0_i32, %c0_i32_0 : i32, i32
  }
  func.func @transform_29(%arg0: i32) -> (i32, i32) {
    %c0_i32 = arith.constant 0 : i32
    %c0_i32_0 = arith.constant 0 : i32
    %c0_i32_1 = arith.constant 0 : i32
    return %c0_i32, %c0_i32_0 : i32, i32
  }
  func.func @transform_30(%arg0: i32) -> (i32, i32) {
    %c0_i32 = arith.constant 0 : i32
    %c0_i32_0 = arith.constant 0 : i32
    %c0_i32_1 = arith.constant 0 : i32
    return %c0_i32, %c0_i32_0 : i32, i32
  }
  func.func @transform_31(%arg0: i32) -> (i32, i32) {
    %c0_i32 = arith.constant 0 : i32
    %c0_i32_0 = arith.constant 0 : i32
    %c0_i32_1 = arith.constant 0 : i32
    return %c0_i32, %c0_i32_0 : i32, i32
  }
  func.func @transform_32(%arg0: i32) -> (i32, i32) {
    %c0_i32 = arith.constant 0 : i32
    %c0_i32_0 = arith.constant 0 : i32
    %c0_i32_1 = arith.constant 0 : i32
    return %c0_i32, %c0_i32_0 : i32, i32
  }
  func.func @transform_33(%arg0: i32) -> (i32, i32) {
    %c0_i32 = arith.constant 0 : i32
    %c0_i32_0 = arith.constant 0 : i32
    %c0_i32_1 = arith.constant 0 : i32
    return %c0_i32, %c0_i32_0 : i32, i32
  }
  func.func @transform_34(%arg0: i32) -> (i32, i32) {
    %c0_i32 = arith.constant 0 : i32
    %c0_i32_0 = arith.constant 0 : i32
    %c0_i32_1 = arith.constant 0 : i32
    return %c0_i32, %c0_i32_0 : i32, i32
  }
  func.func @transform_35(%arg0: i32) -> (i32, i32) {
    %c0_i32 = arith.constant 0 : i32
    %c0_i32_0 = arith.constant 0 : i32
    %c0_i32_1 = arith.constant 0 : i32
    return %c0_i32, %c0_i32_0 : i32, i32
  }
  func.func @transform_36(%arg0: i32) -> (i32, i32) {
    %c0_i32 = arith.constant 0 : i32
    %c0_i32_0 = arith.constant 0 : i32
    %c0_i32_1 = arith.constant 0 : i32
    return %c0_i32, %c0_i32_0 : i32, i32
  }
  func.func @transform_37(%arg0: i32) -> (i32, i32) {
    %c0_i32 = arith.constant 0 : i32
    %c0_i32_0 = arith.constant 0 : i32
    %c0_i32_1 = arith.constant 0 : i32
    return %c0_i32, %c0_i32_0 : i32, i32
  }
  func.func @transform_38(%arg0: i32) -> (i32, i32) {
    %c0_i32 = arith.constant 0 : i32
    %c0_i32_0 = arith.constant 0 : i32
    %c0_i32_1 = arith.constant 0 : i32
    return %c0_i32, %c0_i32_0 : i32, i32
  }
  func.func @transform_39(%arg0: i32) -> (i32, i32) {
    %c0_i32 = arith.constant 0 : i32
    %c0_i32_0 = arith.constant 0 : i32
    %c0_i32_1 = arith.constant 0 : i32
    return %c0_i32, %c0_i32_0 : i32, i32
  }
  func.func @transform_40(%arg0: i32) -> (i32, i32) {
    %c0_i32 = arith.constant 0 : i32
    %c0_i32_0 = arith.constant 0 : i32
    %c0_i32_1 = arith.constant 0 : i32
    return %c0_i32, %c0_i32_0 : i32, i32
  }
  func.func @transform_41(%arg0: i32) -> (i32, i32) {
    %c0_i32 = arith.constant 0 : i32
    %c0_i32_0 = arith.constant 0 : i32
    %c0_i32_1 = arith.constant 0 : i32
    return %c0_i32, %c0_i32_0 : i32, i32
  }
  func.func @transform_42(%arg0: i32) -> (i32, i32) {
    %c0_i32 = arith.constant 0 : i32
    %c0_i32_0 = arith.constant 0 : i32
    %c0_i32_1 = arith.constant 0 : i32
    return %c0_i32, %c0_i32_0 : i32, i32
  }
  func.func @transform_43(%arg0: i32) -> (i32, i32) {
    %c0_i32 = arith.constant 0 : i32
    %c0_i32_0 = arith.constant 0 : i32
    %c0_i32_1 = arith.constant 0 : i32
    return %c0_i32, %c0_i32_0 : i32, i32
  }
  func.func @transform_44(%arg0: i32) -> (i32, i32) {
    %c0_i32 = arith.constant 0 : i32
    %c0_i32_0 = arith.constant 0 : i32
    %c0_i32_1 = arith.constant 0 : i32
    return %c0_i32, %c0_i32_0 : i32, i32
  }
  func.func @transform_45(%arg0: i32) -> (i32, i32) {
    %c0_i32 = arith.constant 0 : i32
    %c0_i32_0 = arith.constant 0 : i32
    %c0_i32_1 = arith.constant 0 : i32
    return %c0_i32, %c0_i32_0 : i32, i32
  }
  func.func @transform_46(%arg0: i32) -> (i32, i32) {
    %c0_i32 = arith.constant 0 : i32
    %c0_i32_0 = arith.constant 0 : i32
    %c0_i32_1 = arith.constant 0 : i32
    return %c0_i32, %c0_i32_0 : i32, i32
  }
  func.func @transform_47(%arg0: i32) -> (i32, i32) {
    %c0_i32 = arith.constant 0 : i32
    %c0_i32_0 = arith.constant 0 : i32
    %c0_i32_1 = arith.constant 0 : i32
    return %c0_i32, %c0_i32_0 : i32, i32
  }
  func.func @transform_48(%arg0: i32) -> (i32, i32, i32) {
    %c0_i32 = arith.constant 0 : i32
    %c0_i32_0 = arith.constant 0 : i32
    %c0_i32_1 = arith.constant 0 : i32
    return %arg0, %c0_i32, %c0_i32_0 : i32, i32, i32
  }
}

</mosaic_0001>

<sc_bundles>
// kernel: kernel.6.cloned.1.call-start
scs
__scs_entry_jumppad:
0x0: {  	(pc) =	sbr.rel $0x88, $3  }
0x1: {  	(tag) =	ssettag $0x0;
	lr =	simm.s32 $0x1  }
0x2: {  	[smem:$0x3F58] =	sst lr;
	_ =	strace $0xD0000000  }
0x3: {  	_ = 	snop  }
0x4: {  	_ = 	snop  }
0x5: {  	_ = 	snop  }
0x6: {  	_ = 	snop  }
0x7: {  	_ = 	snop  }
__scs_overlays_trampoline_lowered:
0x8: {  	[smem:$0x3F67] =	sst s0  }
0x9: {  	[smem:$0x3F68] =	sst s1  }
0xa: {  	[smem:$0x3F69] =	sst s2  }
0xb: {  	[smem:$0x3F6A] =	sst s3  }
0xc: {  	[smem:$0x3F6B] =	sst s4  }
0xd: {  	[smem:$0x3F6C] =	sst s5  }
0xe: {  	[smem:$0x3F6D] =	sst s6  }
0xf: {  	[smem:$0x3F6E] =	sst s7  }
0x10: {  	[smem:$0x3F6F] =	sst s8  }
0x11: {  	[smem:$0x3F70] =	sst s9;
	s0 =	simm.s32 @!p0 $0x0  }
0x12: {  	s1 =	sld [smem:$0x3F56];
	s0 =	simm.s32 @p0 $0x1  }
0x13: {  	[smem:$0x3F71] =	sst s0;
	s0 =	simm.s32 @!p1 $0x0  }
0x14: {  	s2 =	sld [smem:$0x3F55];
	s0 =	simm.s32 @p1 $0x1  }
0x15: {  	[smem:$0x3F72] =	sst s0;
	s0 =	simm.s32 @!p2 $0x0  }
0x16: {  	s3 =	sld [smem:$0x3FDB];
	s0 =	simm.s32 @p2 $0x1  }
0x17: {  	s4 =	simm.s32 $0x1BF5;
	[smem:$0x3F74] =	sst s0  }
0x18: {  	s0 =	sld [smem:$0x3F57];
	_ =	swait.ge [sflag:s4], $0x0  }
0x19: {  	s7 =	sld [smem:$0x3F58]  }
0x1a: {  	s8 =	sadd.s32 $0xFFFFE003, lr  }
0x1b: {  	s9 =	sadd.s32 $0xFFFFFEF7, lr;
	s5 =	simm.s32 $0xFFFFFFFF;
	p2 =	slt.u32 s8, $0xFFFFF086  }
0x1c: {  	p1 =	slt.u32 s9, $0xF7A;
	s5 =	simm.s32 @!p2 $0x0  }
0x1d: {  	s5 =	simm.s32 @p1 $0x1;
	p0 =	seq.s32 s7, s2  }
0x1e: {  	s7 =	smul.u32 @!p0 $0xF7A, s2;
	p2 =	seq.s32 @!p0 s5, $0x0  }
0x1f: {  	s9 =	smul.u32 $0xF7A, s1;
	s8 =	simm.s32 @!p0 $0x1BF5;
	p2 =	por !p2, p0  }
0x20: {  	[sflag:s8] =	ssyncset.s32 @!p0 $0xFFFFF086;
	s6 =	sadd.s32 @!p0 s3, s7;
	s7 =	simm.s32 @!p0 $0x108  }
0x21: {  	s3 =	sadd.s32 s3, s9;
	s6 =	sadd.s32 @!p0 $0x88, s6;
	s7 =	simm.s32 @p2 $0x1082  }
0x22: {  	[simem:s7], [sflag:s8] =	dma.local @!p0 [hbm:s6], $0xF7A  }
0x23: {  	s9 =	sor.u32 $0xD0000000, s2;
	s6 =	simm.s32 $0x108;
	_ =	swait.ge @!p0 [sflag:s8], $0x0  }
0x24: {  	s3 =	sadd.s32 $0x88, s3;
	s6 =	simm.s32 @!p1 $0x1082;
	[sflag:s4] =	ssyncset.s32 $0xFFFFF086  }
0x25: {  	[simem:s6], [sflag:s4] =	dma.local [hbm:s3], $0xF7A  }
0x26: {  	[smem:$0x3F58] =	sst s1;
	(tag) =	ssettag s2;
	_ =	strace s9  }
0x27: {  	s1 =	sld [smem:$0x3F68]  }
0x28: {  	s2 =	sld [smem:$0x3F69]  }
0x29: {  	s4 =	sld [smem:$0x3F6B]  }
0x2a: {  	p0 =	seq.s32 s5, $0x0;
	s5 =	sld [smem:$0x3F6C]  }
0x2b: {  	s6 =	sld [smem:$0x3F6D]  }
0x2c: {  	s7 =	sld [smem:$0x3F6E]  }
0x2d: {  	s3 =	simm.s32 $0x108;
	s8 =	sld [smem:$0x3F6F]  }
0x2e: {  	s3 =	simm.s32 @!p0 $0x1082;
	s9 =	sld [smem:$0x3F70]  }
0x2f: {  	lr =	sadd.s32 s0, s3;
	s0 =	sld [smem:$0x3F67]  }
0x30: {  	s3 =	sld [smem:$0x3F6A]  }
0x31: {  	[smem:$0x3F73] =	sst s10  }
0x32: {  	s10 =	sld [smem:$0x3F71];
	_ =	sdelay $0x3  }
0x33: {  	p0 =	seq.s32 s10, $0x1;
	s10 =	sld [smem:$0x3F73];
	_ =	sdelay $0x3  }
0x34: {  	[smem:$0x3F73] =	sst s10  }
0x35: {  	s10 =	sld [smem:$0x3F72];
	_ =	sdelay $0x3  }
0x36: {  	p1 =	seq.s32 s10, $0x1;
	s10 =	sld [smem:$0x3F73];
	_ =	sdelay $0x3  }
0x37: {  	[smem:$0x3F73] =	sst s10  }
0x38: {  	s10 =	sld [smem:$0x3F74]  }
0x39: {  	_ = 	snop;
	(pc) =	sbr.ind lr, $3  }
0x3a: {  	_ = 	snop  }
0x3b: {  	_ = 	snop  }
0x3c: {  	p2 =	seq.s32 s10, $0x1;
	s10 =	sld [smem:$0x3F73]  }
0x3d: {  	_ =	shalt  }
0x3e: {  	_ =	shalt  }
0x3f: {  	_ =	shalt  }
0x40: {  	_ =	shalt  }
0x41: {  	_ =	shalt  }
0x42: {  	_ =	shalt  }
0x43: {  	_ =	shalt  }
0x44: {  	_ =	shalt  }
0x45: {  	_ =	shalt  }
0x46: {  	_ =	shalt  }
0x47: {  	_ =	shalt  }
0x48: {  	_ =	shalt  }
0x49: {  	_ =	shalt  }
0x4a: {  	_ =	shalt  }
0x4b: {  	_ =	shalt  }
0x4c: {  	_ =	shalt  }
0x4d: {  	_ =	shalt  }
0x4e: {  	_ =	shalt  }
0x4f: {  	_ =	shalt  }
0x50: {  	_ =	shalt  }
0x51: {  	_ =	shalt  }
0x52: {  	_ =	shalt  }
0x53: {  	_ =	shalt  }
0x54: {  	_ =	shalt  }
0x55: {  	_ =	shalt  }
0x56: {  	_ =	shalt  }
0x57: {  	_ =	shalt  }
0x58: {  	_ =	shalt  }
0x59: {  	_ =	shalt  }
0x5a: {  	_ =	shalt  }
0x5b: {  	_ =	shalt  }
0x5c: {  	_ =	shalt  }
0x5d: {  	_ =	shalt  }
0x5e: {  	_ =	shalt  }
0x5f: {  	_ =	shalt  }
0x60: {  	_ =	shalt  }
0x61: {  	_ =	shalt  }
0x62: {  	_ =	shalt  }
0x63: {  	_ =	shalt  }
0x64: {  	_ =	shalt  }
0x65: {  	_ =	shalt  }
0x66: {  	_ =	shalt  }
0x67: {  	_ =	shalt  }
0x68: {  	_ =	shalt  }
0x69: {  	_ =	shalt  }
0x6a: {  	_ =	shalt  }
0x6b: {  	_ =	shalt  }
0x6c: {  	_ =	shalt  }
0x6d: {  	_ =	shalt  }
0x6e: {  	_ =	shalt  }
0x6f: {  	_ =	shalt  }
0x70: {  	_ =	shalt  }
0x71: {  	_ =	shalt  }
0x72: {  	_ =	shalt  }
0x73: {  	_ =	shalt  }
0x74: {  	_ =	shalt  }
0x75: {  	_ =	shalt  }
0x76: {  	_ =	shalt  }
0x77: {  	_ =	shalt  }
0x78: {  	_ =	shalt  }
0x79: {  	_ =	shalt  }
0x7a: {  	_ =	shalt  }
0x7b: {  	_ =	shalt  }
0x7c: {  	_ =	shalt  }
0x7d: {  	_ =	shalt  }
0x7e: {  	_ =	shalt  }
0x7f: {  	_ =	shalt  }
0x80: {  	_ =	shalt  }
0x81: {  	_ =	shalt  }
0x82: {  	_ =	shalt  }
0x83: {  	_ =	shalt  }
0x84: {  	_ =	shalt  }
0x85: {  	_ =	shalt  }
0x86: {  	_ =	shalt  }
0x87: {  	_ =	shalt  }
.Lfunc_end0:
.L_simem_size_0:
called_computation_lowered:
.L_overlay_start_0:
0x88: {  	s2 =	sld [smem:$0x3FD9]  }
0x89: {  	s3 =	sld [smem:$0x3FFE];
	_ =	sdelay $0x1  }
0x8a: {  	s1 =	srdreg.scid  }
0x8b: {  	s0 =	sand.u32 $0x1, s1  }
0x8c: {  	s17 =	sshll.u32 s0, $0xA;
	s2 =	sadd.s32 s3, s2  }
0x8d: {  	s2 =	sadd.s32 s2, s17  }
0x8e: {  	[smem:$0x3F7F] =	sst s2  }
0x8f: {  	_ = 	snop  }
0x90: {  	s2 =	sld [smem:$0x3FC4]  }
0x91: {  	s18 =	sld [smem:$0x3FC3];
	(tm) =	ssettm $0x1  }
0x92: {  	s4 =	sld [smem:$0x3FFB];
	_ =	sdelay $0x3  }
0x93: {  	_ =	strace s4  }
0x94: {  	s4 =	sld [smem:$0x3FFC];
	_ =	sdelay $0x3  }
0x95: {  	_ =	strace s4  }
0x96: {  	s4 =	sld [smem:$0x3FFD];
	_ =	sdelay $0x3  }
0x97: {  	_ =	strace s4  }
0x98: {  	_ =	strace $0x8FFFFFFF  }
0x99: {  	s19 =	sld [smem:$0x3FDB];
	_ =	sdelay $0x1  }
0x9a: {  	s5 =	simm.s32 $_scs_section_size  }
0x9b: {  	s6 =	simm.s32 $_size__tile_overlayer_lowered;
	s7 =	simm.s32 $_tile_overlayer_lowered  }
0x9c: {  	s22 =	simm.s32 $0x1BFF;
	s21 =	sshll.u32 s7, $0x1;
	s4 =	sadd.s32 s5, s19  }
0x9d: {  	s8 =	simm.s32 $0x0;
	s20 =	sshll.u32 s6, $0x1;
	s6 =	sadd.s32 s21, s4  }
0x9e: {  	[timem:s8], [sflag:s22] =	dma.local [hbm:s6], s20  }
0x9f: {  	_ =	swait.ge [sflag:s22], s20  }
0xa0: {  	s5 =	ssub.s32 $0x0, s20;
	[sflag:s22] =	ssyncset.done $0x0  }
0xa1: {  	[sflag:s22] =	ssyncadd.s32 s5;
	_ =	sdelay $0x1  }
0xa2: {  	s23 =	simm.s32 $0x1B8B  }
0xa3: {  	_ =	swait.ge [sflag:s23], $0x1  }
0xa4: {  	[sflag:s23] =	ssyncset.done $0x0  }
0xa5: {  	s25 =	simm.s32 $0x1B8E;
	s24 =	sld [smem:$0x3FFE];
	[sflag:s23] =	ssyncadd.s32 $0xFFFFFFFF  }
0xa6: {  	s26 =	simm.s32 $execute0_lowered;
	[smem:$0x3FD2] =	sst s25  }
0xa7: {  	s6 =	sshll.u32 s26, $0x1;
	_ =	strace $0x80000046;
	[dreg:$0x1] =	wrdreg $0xFFFFFFFF  }
0xa8: {  	s28 =	simm.s32 $_size_execute0_lowered;
	s4 =	sadd.s32 s4, s6;
	[dreg:$0x0] =	wrdreg $0x0  }
0xa9: {  	s6 =	sshll.u32 s28, $0x1;
	[dreg:$0x2] =	wrdreg s4  }
0xaa: {  	[dreg:$0x3] =	wrdreg s6  }
0xab: {  	[dreg:$0x4] =	wrdreg $0xC0  }
0xac: {  	_ =	task [dreg:s8], $0x5FFFF  }
0xad: {  	[dreg:$0x1] =	wrdreg $0xFFFFFFFF  }
0xae: {  	[dreg:$0x0] =	wrdreg $0x60  }
0xaf: {  	[dreg:$0x2] =	wrdreg s24  }
0xb0: {  	[dreg:$0x3] =	wrdreg s2  }
0xb1: {  	[dreg:$0x4] =	wrdreg s18  }
0xb2: {  	[dreg:$0x5] =	wrdreg $0x9  }
0xb3: {  	_ =	task.clear_ibuf [dreg:s8], $0x6FFFF;
	_ =	strace $0x90000046  }
0xb4: {  	s29 =	simm.s32 $0x9;
	_ =	strace $0x80000048  }
0xb5: {  	_ =	swait.ge [sflag:s29], $0x1  }
0xb6: {  	[sflag:s29] =	ssyncadd.s32 $0xFFFFFFFF  }
0xb7: {  	_ =	strace $0x90000048  }
0xb8: {  	_ =	sfence  }
0xb9: {  	s30 =	sld [smem:$0x0];
	_ =	sdelay $0x2  }
0xba: {  	s31 =	sshll.u32 s1, $0xD;
	s1 =	sshrl.u32 s1, $0x2  }
0xbb: {  	s3 =	sand.u32 $0x4000, s31;
	s1 =	sadd.s32 s1, s30  }
0xbc: {  	s0 =	sor.u32 s3, s0;
	s1 =	sshll.u32 s1, $0x11  }
0xbd: {  	s0 =	sor.u32 s1, s0  }
0xbe: {  	s0 =	sadd.s32 $0x8F2B, s0  }
0xbf: {  	[sflag:s0] =	ssyncadd.remote.s32 $0x1  }
0xc0: {  	_ =	sfence.sel $0xFFFF  }
0xc1: {  	[dreg:$0x0] =	wrdreg $0xFFFFFFFF;
	(pc) =	sbr.abs _section_cstart, $3  }
0xc2: {  	[dreg:$0x1] =	wrdreg $0xFFFFFFFF  }
0xc3: {  	_ =	task.clear_ibuf [dreg:s8], $0x2FFFF;
	_ =	strace $0x9FFFFFFF  }
0xc4: {  	(tm) =	ssettm $0x7FFFFFFF  }
0xc5: {  	_ =	shalt  }
tec
execute0_lowered:
.L_overlay_start_1:
0x0: {  	(tag) =	ssettag $0x1  }
0x1: {  	s13 =	rddreg [dreg:$0x0];
	s1 =	srdreg.scid  }
0x2: {  	s2 =	rddreg [dreg:$0x1];
	s0 =	stileid.u32;
	s15 =	sand.u32 $0x1, s1  }
0x3: {  	s3 =	rddreg [dreg:$0x2];
	s5 =	sshll.u32 s0, $0x9;
	s6 =	sshll.u32 s15, $0x8  }
0x4: {  	s4 =	simm.s32 $0x0;
	s1 =	rddreg [dreg:$0x3];
	s10 =	sor.u32 s6, s5  }
0x5: {  	[smem:$0x7FF] =	sst s4;
	s11 =	sadd.s32 $0x9E00, s13;
	s12 =	sshrl.u32 s10, $0x3  }
0x6: {  	_ =	strace $0x80000047;
	s5 =	simm.s32 $0x2;
	s6 =	sadd.s32 s11, s12  }
0x7: {  	[tilespmem:s4], [sflag:$0x2] =	stream.linear.gather [hbm4b:s6+s4], $0x80, $0x38;
	[tilespmem:$0x4080] =	vst v63  }
0x8: {  	_ =	swait.ge [sflag:s5], $0x80  }
0x9: {  	[sflag:s5] =	ssyncset.done $0x0  }
0xa: {  	s7 =	simm.s32 $0x80;
	s8 =	simm.s32 $0x1;
	[sflag:s5] =	ssyncadd.s32 $0xFFFFFF80  }
0xb: {  	[tilespmem:s7], [sflag:$0x1] =	stream.indirect.gather [hbm4b:s2+s7], $0x80, s4, s7, $0xb8;
	[tilespmem:$0x4080] =	vst v63  }
0xc: {  	_ =	swait.ge [sflag:s8], $0x4000  }
0xd: {  	s14 =	sadd.s32 $0xA200, s13;
	s16 =	sshll.u32 s10, $0x4;
	[sflag:s8] =	ssyncset.done $0x0  }
0xe: {  	s9 =	sadd.s32 s14, s16;
	[sflag:s8] =	ssyncadd.s32 $0xFFFFC000  }
0xf: {  	[hbm4b:s9+s4] =	stream.linear.scatter [tilespmem:s7], [sflag:$0x2], $0x4000, $0x38;
	[tilespmem:$0x4080] =	vst v63  }
0x10: {  	s17 =	sor.u32 $0x80, s10;
	_ =	swait.ge [sflag:s5], $0x4000  }
0x11: {  	s18 =	sshrl.u32 s17, $0x3;
	[sflag:s5] =	ssyncset.done $0x0  }
0x12: {  	s10 =	sadd.s32 s11, s18;
	[sflag:s5] =	ssyncadd.s32 $0xFFFFC000  }
0x13: {  	[tilespmem:s4], [sflag:$0x2] =	stream.linear.gather [hbm4b:s10+s4], $0x80, $0x38;
	[tilespmem:$0x4080] =	vst v63  }
0x14: {  	_ =	swait.ge [sflag:s5], $0x80  }
0x15: {  	[sflag:s5] =	ssyncset.done $0x0  }
0x16: {  	[sflag:s5] =	ssyncadd.s32 $0xFFFFFF80  }
0x17: {  	[tilespmem:s7], [sflag:$0x1] =	stream.indirect.gather [hbm4b:s2+s7], $0x80, s4, s7, $0xb8;
	[tilespmem:$0x4080] =	vst v63  }
0x18: {  	_ =	swait.ge [sflag:s8], $0x4000  }
0x19: {  	s17 =	sshll.u32 s17, $0x4;
	[sflag:s8] =	ssyncset.done $0x0  }
0x1a: {  	s11 =	sadd.s32 s14, s17;
	[sflag:s8] =	ssyncadd.s32 $0xFFFFC000  }
0x1b: {  	[hbm4b:s11+s4] =	stream.linear.scatter [tilespmem:s7], [sflag:$0x2], $0x4000, $0x38;
	[tilespmem:$0x4080] =	vst v63  }
0x1c: {  	_ =	swait.ge [sflag:s5], $0x4000  }
0x1d: {  	s30 =	sadd.s32 $0x9A00, s13;
	[sflag:s5] =	ssyncset.done $0x0  }
0x1e: {  	s12 =	sadd.s32 s30, s12;
	[sflag:s5] =	ssyncadd.s32 $0xFFFFC000  }
0x1f: {  	[tilespmem:s4], [sflag:$0x2] =	stream.linear.gather [hbm4b:s12+s4], $0x80, $0x38;
	[tilespmem:$0x4080] =	vst v63  }
0x20: {  	_ =	swait.ge [sflag:s5], $0x80  }
0x21: {  	[sflag:s5] =	ssyncset.done $0x0  }
0x22: {  	[sflag:s5] =	ssyncadd.s32 $0xFFFFFF80  }
0x23: {  	[tilespmem:s7], [sflag:$0x1] =	stream.indirect.gather [hbm4b:s3+s7], $0x80, s4, s7, $0xb8;
	[tilespmem:$0x4080] =	vst v63  }
0x24: {  	_ =	swait.ge [sflag:s8], $0x4000  }
0x25: {  	s19 =	sadd.s32 $0x2A200, s13;
	[sflag:s8] =	ssyncset.done $0x0  }
0x26: {  	s13 =	sadd.s32 s19, s16;
	[sflag:s8] =	ssyncadd.s32 $0xFFFFC000  }
0x27: {  	[hbm4b:s13+s4] =	stream.linear.scatter [tilespmem:s7], [sflag:$0x2], $0x4000, $0x38;
	[tilespmem:$0x4080] =	vst v63  }
0x28: {  	_ =	swait.ge [sflag:s5], $0x4000  }
0x29: {  	[sflag:s5] =	ssyncset.done $0x0  }
0x2a: {  	s15 =	ssub.s32 $0x2, s15;
	s14 =	sadd.s32 s30, s18;
	[sflag:s5] =	ssyncadd.s32 $0xFFFFC000  }
0x2b: {  	[tilespmem:s4], [sflag:$0x2] =	stream.linear.gather [hbm4b:s14+s4], $0x80, $0x38;
	[tilespmem:$0x4080] =	vst v63  }
0x2c: {  	s31 =	sshrl.u32 s15, $0x1;
	_ =	swait.ge [sflag:s5], $0x80  }
0x2d: {  	s16 =	ssub.s32 s15, s31;
	[sflag:s5] =	ssyncset.done $0x0  }
0x2e: {  	s16 =	smax.u32 s16, $0x1;
	[sflag:s5] =	ssyncadd.s32 $0xFFFFFF80  }
0x2f: {  	[tilespmem:s7], [sflag:$0x1] =	stream.indirect.gather [hbm4b:s3+s7], $0x80, s4, s7, $0xb8;
	[tilespmem:$0x4080] =	vst v63  }
0x30: {  	p0 =	sne.s32 s16, $0x1;
	_ =	swait.ge [sflag:s8], $0x4000  }
.Ltmp0:
0x31: {  	[sflag:s8] =	ssyncset.done $0x0;
	(pc) =	sbr.rel @!p0 .LBB2_2-.Ltmp0, $4  }
0x32: {  	s15 =	sadd.s32 s19, s17;
	[sflag:s8] =	ssyncadd.s32 $0xFFFFC000  }
0x33: {  	[hbm4b:s15+s4] =	stream.linear.scatter [tilespmem:s7], [sflag:$0x2], $0x4000, $0x38;
	[tilespmem:$0x4080] =	vst v63  }
0x34: {  	_ =	swait.ge [sflag:s5], $0x4000  }
0x35: {  	s16 =	sadd.s32 $0xFFFFFFFF, s16;
	[sflag:s5] =	ssyncset.done $0x0  }
.LBB2_1:
0x36: {  	p0 =	sne.s32 s16, $0x1;
	s16 =	sadd.s32 $0xFFFFFFFF, s16;
	[sflag:s5] =	ssyncadd.s32 $0xFFFFC000  }
0x37: {  	[tilespmem:s4], [sflag:$0x2] =	stream.linear.gather [hbm4b:s6+s4], $0x80, $0x38;
	[tilespmem:$0x4080] =	vst v63  }
0x38: {  	_ =	swait.ge [sflag:s5], $0x80  }
0x39: {  	[sflag:s5] =	ssyncset.done $0x0  }
0x3a: {  	[sflag:s5] =	ssyncadd.s32 $0xFFFFFF80  }
0x3b: {  	[tilespmem:s7], [sflag:$0x1] =	stream.indirect.gather [hbm4b:s2+s7], $0x80, s4, s7, $0xb8;
	[tilespmem:$0x4080] =	vst v63  }
0x3c: {  	_ =	swait.ge [sflag:s8], $0x4000  }
0x3d: {  	[sflag:s8] =	ssyncset.done $0x0  }
0x3e: {  	[sflag:s8] =	ssyncadd.s32 $0xFFFFC000  }
0x3f: {  	[hbm4b:s9+s4] =	stream.linear.scatter [tilespmem:s7], [sflag:$0x2], $0x4000, $0x38;
	[tilespmem:$0x4080] =	vst v63  }
0x40: {  	_ =	swait.ge [sflag:s5], $0x4000  }
0x41: {  	[sflag:s5] =	ssyncset.done $0x0  }
0x42: {  	[sflag:s5] =	ssyncadd.s32 $0xFFFFC000  }
0x43: {  	[tilespmem:s4], [sflag:$0x2] =	stream.linear.gather [hbm4b:s10+s4], $0x80, $0x38;
	[tilespmem:$0x4080] =	vst v63  }
0x44: {  	_ =	swait.ge [sflag:s5], $0x80  }
0x45: {  	[sflag:s5] =	ssyncset.done $0x0  }
0x46: {  	[sflag:s5] =	ssyncadd.s32 $0xFFFFFF80  }
0x47: {  	[tilespmem:s7], [sflag:$0x1] =	stream.indirect.gather [hbm4b:s2+s7], $0x80, s4, s7, $0xb8;
	[tilespmem:$0x4080] =	vst v63  }
0x48: {  	_ =	swait.ge [sflag:s8], $0x4000  }
0x49: {  	[sflag:s8] =	ssyncset.done $0x0  }
0x4a: {  	[sflag:s8] =	ssyncadd.s32 $0xFFFFC000  }
0x4b: {  	[hbm4b:s11+s4] =	stream.linear.scatter [tilespmem:s7], [sflag:$0x2], $0x4000, $0x38;
	[tilespmem:$0x4080] =	vst v63  }
0x4c: {  	_ =	swait.ge [sflag:s5], $0x4000  }
0x4d: {  	[sflag:s5] =	ssyncset.done $0x0  }
0x4e: {  	[sflag:s5] =	ssyncadd.s32 $0xFFFFC000  }
0x4f: {  	[tilespmem:s4], [sflag:$0x2] =	stream.linear.gather [hbm4b:s12+s4], $0x80, $0x38;
	[tilespmem:$0x4080] =	vst v63  }
0x50: {  	_ =	swait.ge [sflag:s5], $0x80  }
0x51: {  	[sflag:s5] =	ssyncset.done $0x0  }
0x52: {  	[sflag:s5] =	ssyncadd.s32 $0xFFFFFF80  }
0x53: {  	[tilespmem:s7], [sflag:$0x1] =	stream.indirect.gather [hbm4b:s3+s7], $0x80, s4, s7, $0xb8;
	[tilespmem:$0x4080] =	vst v63  }
0x54: {  	_ =	swait.ge [sflag:s8], $0x4000  }
0x55: {  	[sflag:s8] =	ssyncset.done $0x0  }
0x56: {  	[sflag:s8] =	ssyncadd.s32 $0xFFFFC000  }
0x57: {  	[hbm4b:s13+s4] =	stream.linear.scatter [tilespmem:s7], [sflag:$0x2], $0x4000, $0x38;
	[tilespmem:$0x4080] =	vst v63  }
0x58: {  	_ =	swait.ge [sflag:s5], $0x4000  }
0x59: {  	[sflag:s5] =	ssyncset.done $0x0  }
0x5a: {  	[sflag:s5] =	ssyncadd.s32 $0xFFFFC000  }
0x5b: {  	[tilespmem:s4], [sflag:$0x2] =	stream.linear.gather [hbm4b:s14+s4], $0x80, $0x38;
	[tilespmem:$0x4080] =	vst v63  }
0x5c: {  	_ =	swait.ge [sflag:s5], $0x80  }
0x5d: {  	[sflag:s5] =	ssyncset.done $0x0  }
0x5e: {  	[sflag:s5] =	ssyncadd.s32 $0xFFFFFF80  }
0x5f: {  	[tilespmem:s7], [sflag:$0x1] =	stream.indirect.gather [hbm4b:s3+s7], $0x80, s4, s7, $0xb8;
	[tilespmem:$0x4080] =	vst v63  }
0x60: {  	_ =	swait.ge [sflag:s8], $0x4000  }
.Ltmp1:
0x61: {  	[sflag:s8] =	ssyncset.done $0x0;
	(pc) =	sbr.rel @p0 .LBB2_1-.Ltmp1, $4  }
0x62: {  	[sflag:s8] =	ssyncadd.s32 $0xFFFFC000  }
0x63: {  	[hbm4b:s15+s4] =	stream.linear.scatter [tilespmem:s7], [sflag:$0x2], $0x4000, $0x38;
	[tilespmem:$0x4080] =	vst v63  }
0x64: {  	_ =	swait.ge [sflag:s5], $0x4000  }
0x65: {  	[sflag:s5] =	ssyncset.done $0x0  }
.LBB2_2:
0x66: {  	[sflag:s5] =	ssyncadd.s32 $0xFFFFC000  }
0x67: {  	_ =	sfence.sel $0x180000  }
0x68: {  	[bflag:$0x0] =	sbarrier.arrive $0xFFFF  }
0x69: {  	p0 =	sne.s32 s0, $0x0;
	_ =	strace $0x90000047  }
0x6a: {  	s0 =	sadd.s32 @!p0 $0x100000, s1;
	[bflag:$0x2] =	sbarrier.arrive $0xFFFF  }
0x6b: {  	[sflag:s0] =	ssyncadd.tile.s32 @!p0 $0x1;
	_ =	shalt  }
.Lfunc_end2:
_tile_overlayer_lowered:
.L_overlay_start_2:
0x6c: {  	(tag) =	ssettag $0x2  }
0x6d: {  	s0 =	rddreg [dreg:$0x0];
	s2 =	stileid.u32  }
0x6e: {  	s1 =	rddreg [dreg:$0x1];
	p0 =	sne.s32 s2, $0x0  }
0x6f: {  	s3 =	rddreg [dreg:$0x2];
	[bflag:$0x3] =	sbarrier.arrive $0xFFFF;
	s2 =	simm.s32 @!p0 $0x1C02  }
0x70: {  	[timem:s3], [sflag:s2] =	dma.local @!p0 [hbm:s0], s1  }
0x71: {  	s0 =	simm.s32 @!p0 $0x2  }
0x72: {  	_ =	swait.ge @!p0 [sflag:s0], s1  }
0x73: {  	s1 =	ssub.s32 @!p0 $0x0, s1;
	[sflag:s0] =	ssyncset.done @!p0 $0x0  }
0x74: {  	[sflag:s0] =	ssyncadd.s32 @!p0 s1  }
0x75: {  	[bflag:$0x3] =	sbarrier.arrive $0xFFFF  }
0x76: {  	_ =	shalt  }

</sc_bundles>
